<compile_context>
chip_gen: v7x
topology: tpu7x:2x2x1
jax: 0.10.2.dev20260603
libtpu: 0.0.44.dev20260713+nightly
codegen_flags: <defaults>
</compile_context>

<pallas_src>
import functools

import numpy as np
import jax
import jax.numpy as jnp
from jax import lax
from jax.experimental import pallas as pl
from jax.experimental.pallas import tpu as pltpu
from jax.experimental.pallas import tpu_sc as plsc

H = 8
C = 16
HC = H * C
N_NODES = 10000
N_EDGES = 320000
D_IN = 128

NC = 2
NS = 16
NW = NC * NS
L = 16

EDGES_PER_W = N_EDGES // NW
BLK = 40
NBLK = EDGES_PER_W // BLK
SB = 10
NPAD = 10240
ZROWS = NPAD // NS
NDEN = NPAD // 8
ZDROWS = NDEN // NS


def _proj_body(x_ref, kw, kb, qw, qb, vw, vb, k_out, q_out, v_out):
    xb = x_ref[...]
    k_out[...] = jnp.dot(xb, kw[...], preferred_element_type=jnp.float32) + kb[...]
    q_out[...] = jnp.dot(xb, qw[...], preferred_element_type=jnp.float32) + qb[...]
    v_out[...] = jnp.dot(xb, vw[...], preferred_element_type=jnp.float32) + vb[...]


def _node_proj(x, Kw, Kb, Qw, Qb, Vw, Vb):
    n = x.shape[0]
    bn = 2000
    grid = n // bn
    full = pl.BlockSpec((D_IN, HC), lambda i: (0, 0))
    bias = pl.BlockSpec((1, HC), lambda i: (0, 0))
    rows = pl.BlockSpec((bn, HC), lambda i: (i, 0))
    return pl.pallas_call(
        _proj_body,
        grid=(grid,),
        in_specs=[pl.BlockSpec((bn, D_IN), lambda i: (i, 0)),
                  full, bias, full, bias, full, bias],
        out_specs=[rows, rows, rows],
        out_shape=[jax.ShapeDtypeStruct((n, HC), jnp.float32)] * 3,
    )(x, Kw, Kb.reshape(1, HC), Qw, Qb.reshape(1, HC), Vw, Vb.reshape(1, HC))


def _eproj_body(e_ref, w, b, out):
    out[...] = jnp.dot(e_ref[...], w[...], preferred_element_type=jnp.float32) + b[...]


def _edge_proj(e, Ew, Eb):
    m = e.shape[0]
    bm = 4000
    grid = m // bm
    return pl.pallas_call(
        _eproj_body,
        grid=(grid,),
        in_specs=[pl.BlockSpec((bm, D_IN), lambda i: (i, 0)),
                  pl.BlockSpec((D_IN, HC), lambda i: (0, 0)),
                  pl.BlockSpec((1, HC), lambda i: (0, 0))],
        out_specs=pl.BlockSpec((bm, HC), lambda i: (i, 0)),
        out_shape=jax.ShapeDtypeStruct((m, HC), jnp.float32),
    )(e, Ew, Eb.reshape(1, HC))


_SC_MESH = plsc.VectorSubcoreMesh(
    core_axis_name="c", subcore_axis_name="s", num_cores=NC, num_subcores=NS)


@functools.partial(
    pl.kernel,
    out_type=(
        jax.ShapeDtypeStruct((N_EDGES, HC), jnp.float32),
        jax.ShapeDtypeStruct((NC, NPAD, HC), jnp.float32),
        jax.ShapeDtypeStruct((NC, NDEN, HC), jnp.float32),
    ),
    mesh=_SC_MESH,
    scratch_types=[
        pltpu.VMEM((SB * BLK,), jnp.int32),
        pltpu.VMEM((SB * BLK,), jnp.int32),
        pltpu.VMEM((BLK,), jnp.int32),
        pltpu.VMEM((BLK,), jnp.int32),
        pltpu.VMEM((BLK, HC), jnp.float32),
        pltpu.VMEM((BLK, HC), jnp.float32),
        pltpu.VMEM((BLK, HC), jnp.float32),
        pltpu.VMEM((BLK, HC), jnp.float32),
        pltpu.VMEM((BLK, HC), jnp.float32),
        pltpu.VMEM((BLK, HC), jnp.float32),
        pltpu.VMEM((BLK, HC), jnp.float32),
        pltpu.VMEM_SHARED((NPAD, HC), jnp.float32),
        pltpu.VMEM_SHARED((NDEN, HC), jnp.float32),
        pltpu.SemaphoreType.DMA,
        pltpu.SemaphoreType.DMA,
        pltpu.SemaphoreType.DMA,
        pltpu.SemaphoreType.DMA,
    ],
)
def _edge_kernel(kh_hbm, qh_hbm, vh_hbm, ee_hbm, src_hbm, dst_hbm, z_hbm,
                 eout_hbm, partn_hbm, partd_hbm,
                 src_sb, dst_sb, src_v, src8_v, k_v, q_v, v_v, ee_v, eout_v,
                 rown_v, rowd_v, accn, accd, sem0, sem1, sem2, semo):
    cid = lax.axis_index("c")
    sid = lax.axis_index("s")
    wid = cid * NS + sid

    pltpu.sync_copy(z_hbm, accn.at[pl.ds(sid * ZROWS, ZROWS)])
    pltpu.sync_copy(z_hbm.at[pl.ds(0, ZDROWS)],
                    accd.at[pl.ds(sid * ZDROWS, ZDROWS)])
    plsc.subcore_barrier()

    lane = lax.broadcasted_iota(jnp.int32, (L,), 0)
    perms = [jnp.bitwise_xor(lane, m) for m in (1, 2, 4, 8)]
    zero16 = jnp.zeros((L,), jnp.float32)
    one_i = jnp.ones((L,), jnp.int32)
    lane_onehot = [
        (one_i - jnp.minimum(jnp.bitwise_xor(lane, h), one_i)
         ).astype(jnp.float32)
        for h in range(H)]

    def lane_sum_splat(v):
        for p in perms:
            v = v + v.at[p].get(mode="promise_in_bounds", unique_indices=True)
        return v

    def edge_body(i, carry):
        dvec = zero16
        for h in range(H):
            sl = pl.ds(h * C, C)
            eo = k_v[i, sl] * q_v[i, sl] * ee_v[i, sl] * 0.25
            eout_v[i, sl] = eo
            exv = jnp.exp(lane_sum_splat(eo))
            rown_v[i, sl] = exv * v_v[i, sl]
            dvec = dvec + exv * lane_onehot[h]
        ib = pl.multiple_of(jnp.minimum((i // L) * L, BLK - L), 8)
        off = i - ib
        chunk = src_v[pl.ds(ib, L)]
        slotv = chunk.at[jnp.broadcast_to(off, (L,))].get(
            mode="promise_in_bounds") & 7
        for j in range(8):
            mf = (one_i - jnp.minimum(jnp.bitwise_xor(slotv, j), one_i)
                  ).astype(jnp.float32)
            rowd_v[i, pl.ds(j * L, L)] = dvec * mf
        return carry

    _windows = sorted({min(t * L, BLK - L) for t in range((BLK + L - 1) // L)})

    def conv_idx(b):
        sboff = pl.multiple_of((b % SB) * BLK, 8)
        for w in _windows:
            s = src_sb[pl.ds(sboff + w, L)]
            src_v[pl.ds(w, L)] = s
            src8_v[pl.ds(w, L)] = lax.shift_right_logical(s, 3)

    def wait_out():
        pltpu.make_async_copy(eout_v, eout_hbm.at[pl.ds(0, BLK)],
                              semo).wait()

    def blk_body(b, carry):
        base = wid * EDGES_PER_W + b * BLK

        @pl.when(b % SB == 0)
        def _():
            pltpu.sync_copy(src_hbm.at[pl.ds(base, SB * BLK)], src_sb)
            pltpu.sync_copy(dst_hbm.at[pl.ds(base, SB * BLK)], dst_sb)

        sboff = pl.multiple_of((b % SB) * BLK, 8)
        cpk = pltpu.async_copy(kh_hbm.at[src_sb.at[pl.ds(sboff, BLK)]],
                               k_v, sem0)
        cpq = pltpu.async_copy(qh_hbm.at[dst_sb.at[pl.ds(sboff, BLK)]],
                               q_v, sem1)
        cpv = pltpu.async_copy(vh_hbm.at[dst_sb.at[pl.ds(sboff, BLK)]],
                               v_v, sem2)
        pltpu.sync_copy(ee_hbm.at[pl.ds(base, BLK)], ee_v)

        @pl.when(b >= 1)
        def _():
            wait_out()

        conv_idx(b)
        cpk.wait()
        cpq.wait()
        cpv.wait()
        lax.fori_loop(0, BLK, edge_body, 0)
        pltpu.async_copy(eout_v, eout_hbm.at[pl.ds(base, BLK)], semo)
        pltpu.sync_copy(rown_v, accn.at[src_v], add=True)
        pltpu.sync_copy(rowd_v, accd.at[src8_v], add=True)
        return carry

    lax.fori_loop(0, NBLK, blk_body, 0)
    wait_out()

    plsc.subcore_barrier()
    pltpu.sync_copy(accn.at[pl.ds(sid * ZROWS, ZROWS)],
                    partn_hbm.at[cid, pl.ds(sid * ZROWS, ZROWS)])
    pltpu.sync_copy(accd.at[pl.ds(sid * ZDROWS, ZDROWS)],
                    partd_hbm.at[cid, pl.ds(sid * ZDROWS, ZDROWS)])


def _combine_body(n0, n1, d0, d1, m, out):
    num = n0[...] + n1[...]
    den = jnp.dot(d0[...] + d1[...], m[...], preferred_element_type=jnp.float32)
    out[...] = num / jnp.maximum(den, 1e-30)


def _combine(p0n, p1n, p0d, p1d, onehot):
    n = p0n.shape[0]
    bn = 2000
    grid = n // bn
    rows = pl.BlockSpec((bn, HC), lambda i: (i, 0))
    drows = pl.BlockSpec((bn, H), lambda i: (i, 0))
    return pl.pallas_call(
        _combine_body,
        grid=(grid,),
        in_specs=[rows, rows, drows, drows,
                  pl.BlockSpec((H, HC), lambda i: (0, 0))],
        out_specs=rows,
        out_shape=jax.ShapeDtypeStruct((n, HC), jnp.float32),
    )(p0n, p1n, p0d, p1d, onehot)


def kernel(x, e, edge_index, Qw, Qb, Kw, Kb, Vw, Vb, Ew, Eb):
    src = edge_index[0].astype(jnp.int32)
    dst = edge_index[1].astype(jnp.int32)

    Kh, Qh, Vh = _node_proj(x, Kw, Kb, Qw, Qb, Vw, Vb)
    Ee = _edge_proj(e, Ew, Eb)

    zrows = jnp.zeros((ZROWS, HC), jnp.float32)
    e_out, partn, partd = _edge_kernel(Kh, Qh, Vh, Ee, src, dst, zrows)

    p0n = partn[0, :N_NODES, :]
    p1n = partn[1, :N_NODES, :]
    p0d = partd[0].reshape(NDEN * 8, L)[:N_NODES, :H]
    p1d = partd[1].reshape(NDEN * 8, L)[:N_NODES, :H]
    onehot = jnp.repeat(jnp.eye(H, dtype=jnp.float32), C, axis=1)
    h_out = _combine(p0n, p1n, p0d, p1d, onehot)
    return (h_out, e_out)

# --- scband reference (transcript-rebuilt; emitter-appended) ---
"""Pipeline reference for scband-multi-head-attention-layer-61598420959242 (READ-ONLY COPY).

The authoritative reference and input builder live on the scoring server;
editing this copy changes nothing except your own understanding.
"""

import jax, jax.numpy as jnp
import numpy as np

H = 8
C = 16
N_NODES = 10000
N_EDGES = 320000
D_IN = 128


def scatter_softmax(scores, seg, num_segments):
    # scores: [E, H, 1]; softmax over edges sharing the same seg id (dim=0)
    seg_max = jax.ops.segment_max(scores, seg, num_segments=num_segments)
    shifted = scores - seg_max[seg]
    ex = jnp.exp(shifted)
    denom = jax.ops.segment_sum(ex, seg, num_segments=num_segments)
    return ex / denom[seg]


def setup_inputs(seed: int = 0) -> dict:
    key = jax.random.key(seed)
    ks = jax.random.split(key, 12)
    x = jax.random.normal(ks[0], (N_NODES, D_IN), dtype=jnp.float32)
    e = jax.random.normal(ks[1], (N_EDGES, D_IN), dtype=jnp.float32)
    edge_index = jax.random.randint(ks[2], (2, N_EDGES), 0, N_NODES, dtype=jnp.int64 if jax.config.read('jax_enable_x64') else jnp.int32)
    s = 1.0 / np.sqrt(D_IN)
    Qw = jax.random.uniform(ks[3], (D_IN, H * C), jnp.float32, -s, s)
    Qb = jax.random.uniform(ks[4], (H * C,), jnp.float32, -s, s)
    Kw = jax.random.uniform(ks[5], (D_IN, H * C), jnp.float32, -s, s)
    Kb = jax.random.uniform(ks[6], (H * C,), jnp.float32, -s, s)
    Vw = jax.random.uniform(ks[7], (D_IN, H * C), jnp.float32, -s, s)
    Vb = jax.random.uniform(ks[8], (H * C,), jnp.float32, -s, s)
    Ew = jax.random.uniform(ks[9], (D_IN, H * C), jnp.float32, -s, s)
    Eb = jax.random.uniform(ks[10], (H * C,), jnp.float32, -s, s)
    return {"x": x, "e": e, "edge_index": edge_index, "Qw": Qw, "Qb": Qb, "Kw": Kw, "Kb": Kb, "Vw": Vw, "Vb": Vb, "Ew": Ew, "Eb": Eb}


def reference(x, e, edge_index, Qw, Qb, Kw, Kb, Vw, Vb, Ew, Eb):
    n = x.shape[0]
    Q_h = (x @ Qw + Qb).reshape(-1, H, C)
    K_h = (x @ Kw + Kb).reshape(-1, H, C)
    V_h = (x @ Vw + Vb).reshape(-1, H, C)
    E_e = (e @ Ew + Eb).reshape(-1, H, C)
    src = edge_index[0]
    dst = edge_index[1]
    e_out = K_h[src] * Q_h[dst] * E_e / np.sqrt(C)
    score_sum = e_out.sum(axis=-1, keepdims=True)  # [E, H, 1]
    score_sm = scatter_softmax(score_sum, src, n)
    attn = score_sm * V_h[dst]
    attn = attn.reshape(-1, H * C)
    h_out = jax.ops.segment_sum(attn, src, num_segments=n)
    return (h_out, e_out.reshape(-1, H * C))

if __name__ == "__main__":
    import jax
    _d = setup_inputs()
    print(jax.jit(kernel)(*tuple(_d.values())))

</pallas_src>

<mosaic_0001>
#map = affine_map<(d0, d1) -> (0, 0)>
#map1 = affine_map<(d0, d1) -> (0)>
#map2 = affine_map<(d0, d1) -> (0, 0, 0)>
module attributes {stable_mosaic.version = 14 : i64} {
  func.func @_edge_kernel(%arg0: i32, %arg1: i32, %arg2: memref<10000x128xf32, #tpu.memory_space<hbm>>, %arg3: memref<10000x128xf32, #tpu.memory_space<hbm>>, %arg4: memref<10000x128xf32, #tpu.memory_space<hbm>>, %arg5: memref<320000x128xf32, #tpu.memory_space<hbm>>, %arg6: memref<320000xi32, #tpu.memory_space<hbm>>, %arg7: memref<320000xi32, #tpu.memory_space<hbm>>, %arg8: memref<640x128xf32, #tpu.memory_space<hbm>>, %arg9: memref<320000x128xf32, #tpu.memory_space<hbm>>, %arg10: memref<2x10240x128xf32, #tpu.memory_space<hbm>>, %arg11: memref<2x1280x128xf32, #tpu.memory_space<hbm>>, %arg12: memref<400xi32, #tpu.memory_space<vmem>>, %arg13: memref<400xi32, #tpu.memory_space<vmem>>, %arg14: memref<40xi32, #tpu.memory_space<vmem>>, %arg15: memref<40xi32, #tpu.memory_space<vmem>>, %arg16: memref<40x128xf32, #tpu.memory_space<vmem>>, %arg17: memref<40x128xf32, #tpu.memory_space<vmem>>, %arg18: memref<40x128xf32, #tpu.memory_space<vmem>>, %arg19: memref<40x128xf32, #tpu.memory_space<vmem>>, %arg20: memref<40x128xf32, #tpu.memory_space<vmem>>, %arg21: memref<40x128xf32, #tpu.memory_space<vmem>>, %arg22: memref<40x128xf32, #tpu.memory_space<vmem>>, %arg23: memref<10240x128xf32, #tpu.memory_space<vmem_shared>>, %arg24: memref<1280x128xf32, #tpu.memory_space<vmem_shared>>, %arg25: memref<!tpu.dma_semaphore, #tpu.memory_space<semaphore_mem>>, %arg26: memref<!tpu.dma_semaphore, #tpu.memory_space<semaphore_mem>>, %arg27: memref<!tpu.dma_semaphore, #tpu.memory_space<semaphore_mem>>, %arg28: memref<!tpu.dma_semaphore, #tpu.memory_space<semaphore_mem>>) attributes {dimension_semantics = [#tpu.dimension_semantics<core_parallel>, #tpu.dimension_semantics<subcore_parallel>], iteration_bounds = array<i64: 2, 16>, scalar_prefetch = 0 : i64, scratch_operands = 17 : i64, tpu.core_type = #tpu.core_type<sc_vector_subcore>, window_params = [{transform_indices = #map}, {transform_indices = #map}, {transform_indices = #map}, {transform_indices = #map}, {transform_indices = #map1}, {transform_indices = #map1}, {transform_indices = #map}, {transform_indices = #map}, {transform_indices = #map2}, {transform_indices = #map2}]} {
    %mul3A = arith.constant 16 : i32
    %mul3A_0 = arith.muli %arg0, %mul3A : i32
    %add3A = arith.addi %mul3A_0, %arg1 : i32
    %mul3A_1 = arith.constant 640 : i32
    %mul3A_2 = arith.muli %arg1, %mul3A_1 : i32
    "tpu.region"() ({
      %run_scoped3A = tpu.sem_alloc : memref<!tpu.dma_semaphore, #tpu.memory_space<semaphore_mem>>
      %dma_start3A = arith.constant 0 : i32
      %dma_start3A_83 = tpu.memref_slice %arg23[%mul3A_2, %dma_start3A] : memref<10240x128xf32, #tpu.memory_space<vmem_shared>> -> memref<640x128xf32, #tpu.memory_space<vmem_shared>>
      tpu.enqueue_dma source(%arg8 : memref<640x128xf32, #tpu.memory_space<hbm>>) target(%dma_start3A_83 : memref<640x128xf32, #tpu.memory_space<vmem_shared>>) target_semaphore(%run_scoped3A : memref<!tpu.dma_semaphore, #tpu.memory_space<semaphore_mem>>)
      %dma_wait3A_84 = arith.constant 0 : i32
      %dma_wait3A_85 = tpu.memref_slice %arg23[%mul3A_2, %dma_wait3A_84] : memref<10240x128xf32, #tpu.memory_space<vmem_shared>> -> memref<640x128xf32, #tpu.memory_space<vmem_shared>>
      tpu.wait_dma2 semaphore(%run_scoped3A : memref<!tpu.dma_semaphore, #tpu.memory_space<semaphore_mem>>) src(%arg8 : memref<640x128xf32, #tpu.memory_space<hbm>>) dst(%dma_wait3A_85 : memref<640x128xf32, #tpu.memory_space<vmem_shared>>)
      tpu.yield
    }) : () -> ()
    %mul3A_3 = arith.constant 80 : i32
    %mul3A_4 = arith.muli %arg1, %mul3A_3 : i32
    "tpu.region"() ({
      %run_scoped3A = tpu.sem_alloc : memref<!tpu.dma_semaphore, #tpu.memory_space<semaphore_mem>>
      %dma_start3A = arith.constant 0 : i32
      %dma_start3A_83 = tpu.memref_slice %arg24[%mul3A_4, %dma_start3A] : memref<1280x128xf32, #tpu.memory_space<vmem_shared>> -> memref<80x128xf32, #tpu.memory_space<vmem_shared>>
      %dma_start3A_84 = arith.constant 0 : i32
      %dma_start3A_85 = arith.constant 0 : i32
      %dma_start3A_86 = tpu.memref_slice %arg8[%dma_start3A_84, %dma_start3A_85] : memref<640x128xf32, #tpu.memory_space<hbm>> -> memref<80x128xf32, #tpu.memory_space<hbm>>
      tpu.enqueue_dma source(%dma_start3A_86 : memref<80x128xf32, #tpu.memory_space<hbm>>) target(%dma_start3A_83 : memref<80x128xf32, #tpu.memory_space<vmem_shared>>) target_semaphore(%run_scoped3A : memref<!tpu.dma_semaphore, #tpu.memory_space<semaphore_mem>>)
      %dma_wait3A_87 = arith.constant 0 : i32
      %dma_wait3A_88 = tpu.memref_slice %arg24[%mul3A_4, %dma_wait3A_87] : memref<1280x128xf32, #tpu.memory_space<vmem_shared>> -> memref<80x128xf32, #tpu.memory_space<vmem_shared>>
      %dma_wait3A_89 = arith.constant 0 : i32
      %dma_wait3A_90 = arith.constant 0 : i32
      %dma_wait3A_91 = tpu.memref_slice %arg8[%dma_wait3A_89, %dma_wait3A_90] : memref<640x128xf32, #tpu.memory_space<hbm>> -> memref<80x128xf32, #tpu.memory_space<hbm>>
      tpu.wait_dma2 semaphore(%run_scoped3A : memref<!tpu.dma_semaphore, #tpu.memory_space<semaphore_mem>>) src(%dma_wait3A_91 : memref<80x128xf32, #tpu.memory_space<hbm>>) dst(%dma_wait3A_88 : memref<80x128xf32, #tpu.memory_space<vmem_shared>>)
      tpu.yield
    }) : () -> ()
    %barrier3A = arith.constant 0 : index
    tpu.barrier barrier_id(%barrier3A)
    %iota3A = tpu.iota {dimensions = array<i32: 0>} : vector<16xi32>
    %xor3A = arith.constant 1 : i32
    %xor3A_5 = vector.broadcast %xor3A : i32 to vector<16xi32>
    %xor3A_6 = arith.xori %iota3A, %xor3A_5 : vector<16xi32>
    %xor3A_7 = arith.constant 2 : i32
    %xor3A_8 = vector.broadcast %xor3A_7 : i32 to vector<16xi32>
    %xor3A_9 = arith.xori %iota3A, %xor3A_8 : vector<16xi32>
    %xor3A_10 = arith.constant 4 : i32
    %xor3A_11 = vector.broadcast %xor3A_10 : i32 to vector<16xi32>
    %xor3A_12 = arith.xori %iota3A, %xor3A_11 : vector<16xi32>
    %xor3A_13 = arith.constant 8 : i32
    %xor3A_14 = vector.broadcast %xor3A_13 : i32 to vector<16xi32>
    %xor3A_15 = arith.xori %iota3A, %xor3A_14 : vector<16xi32>
    %broadcast_in_dim3A = arith.constant 0.000000e+00 : f32
    %broadcast_in_dim3A_16 = vector.broadcast %broadcast_in_dim3A : f32 to vector<16xf32>
    %broadcast_in_dim3A_17 = arith.constant 1 : i32
    %broadcast_in_dim3A_18 = vector.broadcast %broadcast_in_dim3A_17 : i32 to vector<16xi32>
    %xor3A_19 = arith.constant 0 : i32
    %xor3A_20 = vector.broadcast %xor3A_19 : i32 to vector<16xi32>
    %xor3A_21 = arith.xori %iota3A, %xor3A_20 : vector<16xi32>
    %min3A = arith.minsi %xor3A_21, %broadcast_in_dim3A_18 : vector<16xi32>
    %sub3A = arith.subi %broadcast_in_dim3A_18, %min3A : vector<16xi32>
    %convert_element_type3A = arith.sitofp %sub3A : vector<16xi32> to vector<16xf32>
    %xor3A_22 = arith.constant 1 : i32
    %xor3A_23 = vector.broadcast %xor3A_22 : i32 to vector<16xi32>
    %xor3A_24 = arith.xori %iota3A, %xor3A_23 : vector<16xi32>
    %min3A_25 = arith.minsi %xor3A_24, %broadcast_in_dim3A_18 : vector<16xi32>
    %sub3A_26 = arith.subi %broadcast_in_dim3A_18, %min3A_25 : vector<16xi32>
    %convert_element_type3A_27 = arith.sitofp %sub3A_26 : vector<16xi32> to vector<16xf32>
    %xor3A_28 = arith.constant 2 : i32
    %xor3A_29 = vector.broadcast %xor3A_28 : i32 to vector<16xi32>
    %xor3A_30 = arith.xori %iota3A, %xor3A_29 : vector<16xi32>
    %min3A_31 = arith.minsi %xor3A_30, %broadcast_in_dim3A_18 : vector<16xi32>
    %sub3A_32 = arith.subi %broadcast_in_dim3A_18, %min3A_31 : vector<16xi32>
    %convert_element_type3A_33 = arith.sitofp %sub3A_32 : vector<16xi32> to vector<16xf32>
    %xor3A_34 = arith.constant 3 : i32
    %xor3A_35 = vector.broadcast %xor3A_34 : i32 to vector<16xi32>
    %xor3A_36 = arith.xori %iota3A, %xor3A_35 : vector<16xi32>
    %min3A_37 = arith.minsi %xor3A_36, %broadcast_in_dim3A_18 : vector<16xi32>
    %sub3A_38 = arith.subi %broadcast_in_dim3A_18, %min3A_37 : vector<16xi32>
    %convert_element_type3A_39 = arith.sitofp %sub3A_38 : vector<16xi32> to vector<16xf32>
    %xor3A_40 = arith.constant 4 : i32
    %xor3A_41 = vector.broadcast %xor3A_40 : i32 to vector<16xi32>
    %xor3A_42 = arith.xori %iota3A, %xor3A_41 : vector<16xi32>
    %min3A_43 = arith.minsi %xor3A_42, %broadcast_in_dim3A_18 : vector<16xi32>
    %sub3A_44 = arith.subi %broadcast_in_dim3A_18, %min3A_43 : vector<16xi32>
    %convert_element_type3A_45 = arith.sitofp %sub3A_44 : vector<16xi32> to vector<16xf32>
    %xor3A_46 = arith.constant 5 : i32
    %xor3A_47 = vector.broadcast %xor3A_46 : i32 to vector<16xi32>
    %xor3A_48 = arith.xori %iota3A, %xor3A_47 : vector<16xi32>
    %min3A_49 = arith.minsi %xor3A_48, %broadcast_in_dim3A_18 : vector<16xi32>
    %sub3A_50 = arith.subi %broadcast_in_dim3A_18, %min3A_49 : vector<16xi32>
    %convert_element_type3A_51 = arith.sitofp %sub3A_50 : vector<16xi32> to vector<16xf32>
    %xor3A_52 = arith.constant 6 : i32
    %xor3A_53 = vector.broadcast %xor3A_52 : i32 to vector<16xi32>
    %xor3A_54 = arith.xori %iota3A, %xor3A_53 : vector<16xi32>
    %min3A_55 = arith.minsi %xor3A_54, %broadcast_in_dim3A_18 : vector<16xi32>
    %sub3A_56 = arith.subi %broadcast_in_dim3A_18, %min3A_55 : vector<16xi32>
    %convert_element_type3A_57 = arith.sitofp %sub3A_56 : vector<16xi32> to vector<16xf32>
    %xor3A_58 = arith.constant 7 : i32
    %xor3A_59 = vector.broadcast %xor3A_58 : i32 to vector<16xi32>
    %xor3A_60 = arith.xori %iota3A, %xor3A_59 : vector<16xi32>
    %min3A_61 = arith.minsi %xor3A_60, %broadcast_in_dim3A_18 : vector<16xi32>
    %sub3A_62 = arith.subi %broadcast_in_dim3A_18, %min3A_61 : vector<16xi32>
    %convert_element_type3A_63 = arith.sitofp %sub3A_62 : vector<16xi32> to vector<16xf32>
    %scan3A = arith.constant 0 : i32
    %scan3A_64 = arith.constant 0 : i32
    %scan3A_65 = arith.constant 250 : i32
    %scan3A_66 = arith.addi %scan3A_64, %scan3A_65 : i32
    %scan3A_67 = arith.constant 1 : i32
    scf.for %scan3A_83 = %scan3A_64 to %scan3A_66 step %scan3A_67  : i32 {
      %mul3A_84 = arith.constant 10000 : i32
      %mul3A_85 = arith.muli %add3A, %mul3A_84 : i32
      %mul3A_86 = arith.constant 40 : i32
      %mul3A_87 = arith.muli %scan3A_83, %mul3A_86 : i32
      %add3A_88 = arith.addi %mul3A_85, %mul3A_87 : i32
      %jit3A = arith.constant 10 : i32
      %eq3A = arith.constant 0 : i32
      %eq3A_89 = arith.cmpi eq, %jit3A, %eq3A : i32
      %jit3A_90 = arith.constant 1 : i32
      %select_n3A = arith.select %eq3A_89, %jit3A_90, %jit3A : i32
      %rem3A = arith.remsi %scan3A_83, %select_n3A : i32
      %ne3A = arith.constant 0 : i32
      %ne3A_91 = arith.cmpi ne, %rem3A, %ne3A : i32
      %lt3A = arith.constant 0 : i32
      %lt3A_92 = arith.cmpi slt, %rem3A, %lt3A : i32
      %lt3A_93 = arith.constant 0 : i32
      %lt3A_94 = arith.cmpi slt, %select_n3A, %lt3A_93 : i32
      %ne3A_95 = arith.xori %lt3A_92, %lt3A_94 : i1
      %and3A = arith.andi %ne3A_95, %ne3A_91 : i1
      %add3A_96 = arith.addi %rem3A, %select_n3A : i32
      %select_n3A_97 = arith.select %and3A, %add3A_96, %rem3A : i32
      %eq3A_98 = arith.constant 0 : i32
      %eq3A_99 = arith.cmpi eq, %select_n3A_97, %eq3A_98 : i32
      %convert_element_type3A_100 = arith.extui %eq3A_99 : i1 to i32
      %cond3A = arith.constant 0 : i32
      %cond3A_101 = arith.cmpi ne, %convert_element_type3A_100, %cond3A : i32
      scf.if %cond3A_101 {
        "tpu.region"() ({
          %run_scoped3A = tpu.sem_alloc : memref<!tpu.dma_semaphore, #tpu.memory_space<semaphore_mem>>
          %dma_start3A_221 = tpu.memref_slice %arg6[%add3A_88] : memref<320000xi32, #tpu.memory_space<hbm>> -> memref<400xi32, #tpu.memory_space<hbm>>
          %dma_start3A_222 = tpu.memref_slice %arg6[%add3A_88] : memref<320000xi32, #tpu.memory_space<hbm>> -> memref<400xi32, #tpu.memory_space<hbm>>
          tpu.enqueue_dma source(%dma_start3A_222 : memref<400xi32, #tpu.memory_space<hbm>>) target(%arg12 : memref<400xi32, #tpu.memory_space<vmem>>) target_semaphore(%run_scoped3A : memref<!tpu.dma_semaphore, #tpu.memory_space<semaphore_mem>>)
          %dma_wait3A_223 = tpu.memref_slice %arg6[%add3A_88] : memref<320000xi32, #tpu.memory_space<hbm>> -> memref<400xi32, #tpu.memory_space<hbm>>
          %dma_wait3A_224 = tpu.memref_slice %arg6[%add3A_88] : memref<320000xi32, #tpu.memory_space<hbm>> -> memref<400xi32, #tpu.memory_space<hbm>>
          tpu.wait_dma2 semaphore(%run_scoped3A : memref<!tpu.dma_semaphore, #tpu.memory_space<semaphore_mem>>) src(%dma_wait3A_224 : memref<400xi32, #tpu.memory_space<hbm>>) dst(%arg12 : memref<400xi32, #tpu.memory_space<vmem>>)
          tpu.yield
        }) : () -> ()
        "tpu.region"() ({
          %run_scoped3A = tpu.sem_alloc : memref<!tpu.dma_semaphore, #tpu.memory_space<semaphore_mem>>
          %dma_start3A_221 = tpu.memref_slice %arg7[%add3A_88] : memref<320000xi32, #tpu.memory_space<hbm>> -> memref<400xi32, #tpu.memory_space<hbm>>
          %dma_start3A_222 = tpu.memref_slice %arg7[%add3A_88] : memref<320000xi32, #tpu.memory_space<hbm>> -> memref<400xi32, #tpu.memory_space<hbm>>
          tpu.enqueue_dma source(%dma_start3A_222 : memref<400xi32, #tpu.memory_space<hbm>>) target(%arg13 : memref<400xi32, #tpu.memory_space<vmem>>) target_semaphore(%run_scoped3A : memref<!tpu.dma_semaphore, #tpu.memory_space<semaphore_mem>>)
          %dma_wait3A_223 = tpu.memref_slice %arg7[%add3A_88] : memref<320000xi32, #tpu.memory_space<hbm>> -> memref<400xi32, #tpu.memory_space<hbm>>
          %dma_wait3A_224 = tpu.memref_slice %arg7[%add3A_88] : memref<320000xi32, #tpu.memory_space<hbm>> -> memref<400xi32, #tpu.memory_space<hbm>>
          tpu.wait_dma2 semaphore(%run_scoped3A : memref<!tpu.dma_semaphore, #tpu.memory_space<semaphore_mem>>) src(%dma_wait3A_224 : memref<400xi32, #tpu.memory_space<hbm>>) dst(%arg13 : memref<400xi32, #tpu.memory_space<vmem>>)
          tpu.yield
        }) : () -> ()
      } else {
      }
      %jit3A_102 = arith.constant 10 : i32
      %eq3A_103 = arith.constant 0 : i32
      %eq3A_104 = arith.cmpi eq, %jit3A_102, %eq3A_103 : i32
      %jit3A_105 = arith.constant 1 : i32
      %select_n3A_106 = arith.select %eq3A_104, %jit3A_105, %jit3A_102 : i32
      %rem3A_107 = arith.remsi %scan3A_83, %select_n3A_106 : i32
      %ne3A_108 = arith.constant 0 : i32
      %ne3A_109 = arith.cmpi ne, %rem3A_107, %ne3A_108 : i32
      %lt3A_110 = arith.constant 0 : i32
      %lt3A_111 = arith.cmpi slt, %rem3A_107, %lt3A_110 : i32
      %lt3A_112 = arith.constant 0 : i32
      %lt3A_113 = arith.cmpi slt, %select_n3A_106, %lt3A_112 : i32
      %ne3A_114 = arith.xori %lt3A_111, %lt3A_113 : i1
      %and3A_115 = arith.andi %ne3A_114, %ne3A_109 : i1
      %add3A_116 = arith.addi %rem3A_107, %select_n3A_106 : i32
      %select_n3A_117 = arith.select %and3A_115, %add3A_116, %rem3A_107 : i32
      %mul3A_118 = arith.constant 40 : i32
      %mul3A_119 = arith.muli %select_n3A_117, %mul3A_118 : i32
      %multiple_of3A = tpu.assume_multiple %mul3A_119, 8 : i32
      %dma_start3A = tpu.memref_slice %arg12[%multiple_of3A] : memref<400xi32, #tpu.memory_space<vmem>> -> memref<40xi32, #tpu.memory_space<vmem>>
      %dma_start3A_120 = arith.constant 0 : i32
      %dma_start3A_121 = arith.constant 0 : i32
      %dma_start3A_122 = tpu.memref_slice %arg2[%dma_start3A_120, %dma_start3A_121] : memref<10000x128xf32, #tpu.memory_space<hbm>> -> memref<10000x128xf32, #tpu.memory_space<hbm>>
      tpu.enqueue_indirect_dma source(%dma_start3A_122 : memref<10000x128xf32, #tpu.memory_space<hbm>>) target(%arg16 : memref<40x128xf32, #tpu.memory_space<vmem>>) offsets(%dma_start3A : memref<40xi32, #tpu.memory_space<vmem>>) semaphore(%arg25 : memref<!tpu.dma_semaphore, #tpu.memory_space<semaphore_mem>>)
      %dma_start3A_123 = tpu.memref_slice %arg13[%multiple_of3A] : memref<400xi32, #tpu.memory_space<vmem>> -> memref<40xi32, #tpu.memory_space<vmem>>
      %dma_start3A_124 = arith.constant 0 : i32
      %dma_start3A_125 = arith.constant 0 : i32
      %dma_start3A_126 = tpu.memref_slice %arg3[%dma_start3A_124, %dma_start3A_125] : memref<10000x128xf32, #tpu.memory_space<hbm>> -> memref<10000x128xf32, #tpu.memory_space<hbm>>
      tpu.enqueue_indirect_dma source(%dma_start3A_126 : memref<10000x128xf32, #tpu.memory_space<hbm>>) target(%arg17 : memref<40x128xf32, #tpu.memory_space<vmem>>) offsets(%dma_start3A_123 : memref<40xi32, #tpu.memory_space<vmem>>) semaphore(%arg26 : memref<!tpu.dma_semaphore, #tpu.memory_space<semaphore_mem>>)
      %dma_start3A_127 = tpu.memref_slice %arg13[%multiple_of3A] : memref<400xi32, #tpu.memory_space<vmem>> -> memref<40xi32, #tpu.memory_space<vmem>>
      %dma_start3A_128 = arith.constant 0 : i32
      %dma_start3A_129 = arith.constant 0 : i32
      %dma_start3A_130 = tpu.memref_slice %arg4[%dma_start3A_128, %dma_start3A_129] : memref<10000x128xf32, #tpu.memory_space<hbm>> -> memref<10000x128xf32, #tpu.memory_space<hbm>>
      tpu.enqueue_indirect_dma source(%dma_start3A_130 : memref<10000x128xf32, #tpu.memory_space<hbm>>) target(%arg18 : memref<40x128xf32, #tpu.memory_space<vmem>>) offsets(%dma_start3A_127 : memref<40xi32, #tpu.memory_space<vmem>>) semaphore(%arg27 : memref<!tpu.dma_semaphore, #tpu.memory_space<semaphore_mem>>)
      "tpu.region"() ({
        %run_scoped3A = tpu.sem_alloc : memref<!tpu.dma_semaphore, #tpu.memory_space<semaphore_mem>>
        %dma_start3A_221 = arith.constant 0 : i32
        %dma_start3A_222 = tpu.memref_slice %arg5[%add3A_88, %dma_start3A_221] : memref<320000x128xf32, #tpu.memory_space<hbm>> -> memref<40x128xf32, #tpu.memory_space<hbm>>
        %dma_start3A_223 = arith.constant 0 : i32
        %dma_start3A_224 = tpu.memref_slice %arg5[%add3A_88, %dma_start3A_223] : memref<320000x128xf32, #tpu.memory_space<hbm>> -> memref<40x128xf32, #tpu.memory_space<hbm>>
        tpu.enqueue_dma source(%dma_start3A_224 : memref<40x128xf32, #tpu.memory_space<hbm>>) target(%arg19 : memref<40x128xf32, #tpu.memory_space<vmem>>) target_semaphore(%run_scoped3A : memref<!tpu.dma_semaphore, #tpu.memory_space<semaphore_mem>>)
        %dma_wait3A_225 = arith.constant 0 : i32
        %dma_wait3A_226 = tpu.memref_slice %arg5[%add3A_88, %dma_wait3A_225] : memref<320000x128xf32, #tpu.memory_space<hbm>> -> memref<40x128xf32, #tpu.memory_space<hbm>>
        %dma_wait3A_227 = arith.constant 0 : i32
        %dma_wait3A_228 = tpu.memref_slice %arg5[%add3A_88, %dma_wait3A_227] : memref<320000x128xf32, #tpu.memory_space<hbm>> -> memref<40x128xf32, #tpu.memory_space<hbm>>
        tpu.wait_dma2 semaphore(%run_scoped3A : memref<!tpu.dma_semaphore, #tpu.memory_space<semaphore_mem>>) src(%dma_wait3A_228 : memref<40x128xf32, #tpu.memory_space<hbm>>) dst(%arg19 : memref<40x128xf32, #tpu.memory_space<vmem>>)
        tpu.yield
      }) : () -> ()
      %ge3A = arith.constant 1 : i32
      %ge3A_131 = arith.cmpi sge, %scan3A_83, %ge3A : i32
      %convert_element_type3A_132 = arith.extui %ge3A_131 : i1 to i32
      %cond3A_133 = arith.constant 0 : i32
      %cond3A_134 = arith.cmpi ne, %convert_element_type3A_132, %cond3A_133 : i32
      scf.if %cond3A_134 {
        %dma_wait3A_221 = arith.constant 0 : i32
        %dma_wait3A_222 = arith.constant 0 : i32
        %dma_wait3A_223 = tpu.memref_slice %arg9[%dma_wait3A_221, %dma_wait3A_222] : memref<320000x128xf32, #tpu.memory_space<hbm>> -> memref<40x128xf32, #tpu.memory_space<hbm>>
        %dma_wait3A_224 = arith.constant 0 : i32
        %dma_wait3A_225 = arith.constant 0 : i32
        %dma_wait3A_226 = tpu.memref_slice %arg9[%dma_wait3A_224, %dma_wait3A_225] : memref<320000x128xf32, #tpu.memory_space<hbm>> -> memref<40x128xf32, #tpu.memory_space<hbm>>
        tpu.wait_dma2 semaphore(%arg28 : memref<!tpu.dma_semaphore, #tpu.memory_space<semaphore_mem>>) src(%arg20 : memref<40x128xf32, #tpu.memory_space<vmem>>) dst(%dma_wait3A_226 : memref<40x128xf32, #tpu.memory_space<hbm>>)
      } else {
      }
      %jit3A_135 = arith.constant 10 : i32
      %eq3A_136 = arith.constant 0 : i32
      %eq3A_137 = arith.cmpi eq, %jit3A_135, %eq3A_136 : i32
      %jit3A_138 = arith.constant 1 : i32
      %select_n3A_139 = arith.select %eq3A_137, %jit3A_138, %jit3A_135 : i32
      %rem3A_140 = arith.remsi %scan3A_83, %select_n3A_139 : i32
      %ne3A_141 = arith.constant 0 : i32
      %ne3A_142 = arith.cmpi ne, %rem3A_140, %ne3A_141 : i32
      %lt3A_143 = arith.constant 0 : i32
      %lt3A_144 = arith.cmpi slt, %rem3A_140, %lt3A_143 : i32
      %lt3A_145 = arith.constant 0 : i32
      %lt3A_146 = arith.cmpi slt, %select_n3A_139, %lt3A_145 : i32
      %ne3A_147 = arith.xori %lt3A_144, %lt3A_146 : i1
      %and3A_148 = arith.andi %ne3A_147, %ne3A_142 : i1
      %add3A_149 = arith.addi %rem3A_140, %select_n3A_139 : i32
      %select_n3A_150 = arith.select %and3A_148, %add3A_149, %rem3A_140 : i32
      %mul3A_151 = arith.constant 40 : i32
      %mul3A_152 = arith.muli %select_n3A_150, %mul3A_151 : i32
      %multiple_of3A_153 = tpu.assume_multiple %mul3A_152, 8 : i32
      %add3A_154 = arith.constant 0 : i32
      %add3A_155 = arith.addi %multiple_of3A_153, %add3A_154 : i32
      %get3A = arith.index_cast %add3A_155 : i32 to index
      %get3A_156 = tpu.vector_load %arg12[%get3A] {strides = array<i32>} : memref<400xi32, #tpu.memory_space<vmem>>, vector<16xi32>,
      %get3A_157 = vector.shape_cast %get3A_156 : vector<16xi32> to vector<16xi32>
      %swap3A = arith.constant 0 : index
      %swap3A_158 = tpu.vector_load %arg14[%swap3A] {strides = array<i32>} : memref<40xi32, #tpu.memory_space<vmem>>, vector<16xi32>,
      %swap3A_159 = vector.shape_cast %swap3A_158 : vector<16xi32> to vector<16xi32>
      %swap3A_160 = vector.shape_cast %get3A_157 : vector<16xi32> to vector<16xi32>
      tpu.vector_store %arg14[%swap3A], %swap3A_160 {strides = array<i32>} : memref<40xi32, #tpu.memory_space<vmem>>, vector<16xi32>,
      %shift_right_logical3A = arith.constant 3 : i32
      %shift_right_logical3A_161 = vector.broadcast %shift_right_logical3A : i32 to vector<16xi32>
      %shift_right_logical3A_162 = arith.shrui %get3A_157, %shift_right_logical3A_161 : vector<16xi32>
      %swap3A_163 = arith.constant 0 : index
      %swap3A_164 = tpu.vector_load %arg15[%swap3A_163] {strides = array<i32>} : memref<40xi32, #tpu.memory_space<vmem>>, vector<16xi32>,
      %swap3A_165 = vector.shape_cast %swap3A_164 : vector<16xi32> to vector<16xi32>
      %swap3A_166 = vector.shape_cast %shift_right_logical3A_162 : vector<16xi32> to vector<16xi32>
      tpu.vector_store %arg15[%swap3A_163], %swap3A_166 {strides = array<i32>} : memref<40xi32, #tpu.memory_space<vmem>>, vector<16xi32>,
      %add3A_167 = arith.constant 16 : i32
      %add3A_168 = arith.addi %multiple_of3A_153, %add3A_167 : i32
      %get3A_169 = arith.index_cast %add3A_168 : i32 to index
      %get3A_170 = tpu.vector_load %arg12[%get3A_169] {strides = array<i32>} : memref<400xi32, #tpu.memory_space<vmem>>, vector<16xi32>,
      %get3A_171 = vector.shape_cast %get3A_170 : vector<16xi32> to vector<16xi32>
      %swap3A_172 = arith.constant 16 : index
      %swap3A_173 = tpu.vector_load %arg14[%swap3A_172] {strides = array<i32>} : memref<40xi32, #tpu.memory_space<vmem>>, vector<16xi32>,
      %swap3A_174 = vector.shape_cast %swap3A_173 : vector<16xi32> to vector<16xi32>
      %swap3A_175 = vector.shape_cast %get3A_171 : vector<16xi32> to vector<16xi32>
      tpu.vector_store %arg14[%swap3A_172], %swap3A_175 {strides = array<i32>} : memref<40xi32, #tpu.memory_space<vmem>>, vector<16xi32>,
      %shift_right_logical3A_176 = arith.constant 3 : i32
      %shift_right_logical3A_177 = vector.broadcast %shift_right_logical3A_176 : i32 to vector<16xi32>
      %shift_right_logical3A_178 = arith.shrui %get3A_171, %shift_right_logical3A_177 : vector<16xi32>
      %swap3A_179 = arith.constant 16 : index
      %swap3A_180 = tpu.vector_load %arg15[%swap3A_179] {strides = array<i32>} : memref<40xi32, #tpu.memory_space<vmem>>, vector<16xi32>,
      %swap3A_181 = vector.shape_cast %swap3A_180 : vector<16xi32> to vector<16xi32>
      %swap3A_182 = vector.shape_cast %shift_right_logical3A_178 : vector<16xi32> to vector<16xi32>
      tpu.vector_store %arg15[%swap3A_179], %swap3A_182 {strides = array<i32>} : memref<40xi32, #tpu.memory_space<vmem>>, vector<16xi32>,
      %add3A_183 = arith.constant 24 : i32
      %add3A_184 = arith.addi %multiple_of3A_153, %add3A_183 : i32
      %get3A_185 = arith.index_cast %add3A_184 : i32 to index
      %get3A_186 = tpu.vector_load %arg12[%get3A_185] {strides = array<i32>} : memref<400xi32, #tpu.memory_space<vmem>>, vector<16xi32>,
      %get3A_187 = vector.shape_cast %get3A_186 : vector<16xi32> to vector<16xi32>
      %swap3A_188 = arith.constant 24 : index
      %swap3A_189 = tpu.vector_load %arg14[%swap3A_188] {strides = array<i32>} : memref<40xi32, #tpu.memory_space<vmem>>, vector<16xi32>,
      %swap3A_190 = vector.shape_cast %swap3A_189 : vector<16xi32> to vector<16xi32>
      %swap3A_191 = vector.shape_cast %get3A_187 : vector<16xi32> to vector<16xi32>
      tpu.vector_store %arg14[%swap3A_188], %swap3A_191 {strides = array<i32>} : memref<40xi32, #tpu.memory_space<vmem>>, vector<16xi32>,
      %shift_right_logical3A_192 = arith.constant 3 : i32
      %shift_right_logical3A_193 = vector.broadcast %shift_right_logical3A_192 : i32 to vector<16xi32>
      %shift_right_logical3A_194 = arith.shrui %get3A_187, %shift_right_logical3A_193 : vector<16xi32>
      %swap3A_195 = arith.constant 24 : index
      %swap3A_196 = tpu.vector_load %arg15[%swap3A_195] {strides = array<i32>} : memref<40xi32, #tpu.memory_space<vmem>>, vector<16xi32>,
      %swap3A_197 = vector.shape_cast %swap3A_196 : vector<16xi32> to vector<16xi32>
      %swap3A_198 = vector.shape_cast %shift_right_logical3A_194 : vector<16xi32> to vector<16xi32>
      tpu.vector_store %arg15[%swap3A_195], %swap3A_198 {strides = array<i32>} : memref<40xi32, #tpu.memory_space<vmem>>, vector<16xi32>,
      %dma_wait3A_199 = tpu.memref_slice %arg12[%multiple_of3A] : memref<400xi32, #tpu.memory_space<vmem>> -> memref<40xi32, #tpu.memory_space<vmem>>
      %dma_wait3A_200 = arith.constant 0 : i32
      %dma_wait3A_201 = arith.constant 0 : i32
      %dma_wait3A_202 = tpu.memref_slice %arg2[%dma_wait3A_200, %dma_wait3A_201] : memref<10000x128xf32, #tpu.memory_space<hbm>> -> memref<10000x128xf32, #tpu.memory_space<hbm>>
      tpu.wait_indirect_dma semaphore(%arg25 : memref<!tpu.dma_semaphore, #tpu.memory_space<semaphore_mem>>) src(%dma_wait3A_202 : memref<10000x128xf32, #tpu.memory_space<hbm>>) dst(%arg16 : memref<40x128xf32, #tpu.memory_space<vmem>>)
      %dma_wait3A_203 = tpu.memref_slice %arg13[%multiple_of3A] : memref<400xi32, #tpu.memory_space<vmem>> -> memref<40xi32, #tpu.memory_space<vmem>>
      %dma_wait3A_204 = arith.constant 0 : i32
      %dma_wait3A_205 = arith.constant 0 : i32
      %dma_wait3A_206 = tpu.memref_slice %arg3[%dma_wait3A_204, %dma_wait3A_205] : memref<10000x128xf32, #tpu.memory_space<hbm>> -> memref<10000x128xf32, #tpu.memory_space<hbm>>
      tpu.wait_indirect_dma semaphore(%arg26 : memref<!tpu.dma_semaphore, #tpu.memory_space<semaphore_mem>>) src(%dma_wait3A_206 : memref<10000x128xf32, #tpu.memory_space<hbm>>) dst(%arg17 : memref<40x128xf32, #tpu.memory_space<vmem>>)
      %dma_wait3A_207 = tpu.memref_slice %arg13[%multiple_of3A] : memref<400xi32, #tpu.memory_space<vmem>> -> memref<40xi32, #tpu.memory_space<vmem>>
      %dma_wait3A_208 = arith.constant 0 : i32
      %dma_wait3A_209 = arith.constant 0 : i32
      %dma_wait3A_210 = tpu.memref_slice %arg4[%dma_wait3A_208, %dma_wait3A_209] : memref<10000x128xf32, #tpu.memory_space<hbm>> -> memref<10000x128xf32, #tpu.memory_space<hbm>>
      tpu.wait_indirect_dma semaphore(%arg27 : memref<!tpu.dma_semaphore, #tpu.memory_space<semaphore_mem>>) src(%dma_wait3A_210 : memref<10000x128xf32, #tpu.memory_space<hbm>>) dst(%arg18 : memref<40x128xf32, #tpu.memory_space<vmem>>)
      %scan3A_211 = arith.constant 0 : i32
      %scan3A_212 = arith.constant 0 : i32
      %scan3A_213 = arith.constant 40 : i32
      %scan3A_214 = arith.addi %scan3A_212, %scan3A_213 : i32
      %scan3A_215 = arith.constant 1 : i32
      scf.for %scan3A_221 = %scan3A_212 to %scan3A_214 step %scan3A_215  : i32 {
        %get3A_222 = arith.index_cast %scan3A_221 : i32 to index
        %get3A_223 = arith.constant 0 : index
        %get3A_224 = tpu.vector_load %arg16[%get3A_222, %get3A_223] {strides = array<i32>} : memref<40x128xf32, #tpu.memory_space<vmem>>, vector<1x16xf32>,
        %get3A_225 = vector.shape_cast %get3A_224 : vector<1x16xf32> to vector<16xf32>
        %get3A_226 = arith.index_cast %scan3A_221 : i32 to index
        %get3A_227 = arith.constant 0 : index
        %get3A_228 = tpu.vector_load %arg17[%get3A_226, %get3A_227] {strides = array<i32>} : memref<40x128xf32, #tpu.memory_space<vmem>>, vector<1x16xf32>,
        %get3A_229 = vector.shape_cast %get3A_228 : vector<1x16xf32> to vector<16xf32>
        %mul3A_230 = arith.mulf %get3A_225, %get3A_229 : vector<16xf32>
        %get3A_231 = arith.index_cast %scan3A_221 : i32 to index
        %get3A_232 = arith.constant 0 : index
        %get3A_233 = tpu.vector_load %arg19[%get3A_231, %get3A_232] {strides = array<i32>} : memref<40x128xf32, #tpu.memory_space<vmem>>, vector<1x16xf32>,
        %get3A_234 = vector.shape_cast %get3A_233 : vector<1x16xf32> to vector<16xf32>
        %mul3A_235 = arith.mulf %mul3A_230, %get3A_234 : vector<16xf32>
        %mul3A_236 = arith.constant 2.500000e-01 : f32
        %mul3A_237 = vector.broadcast %mul3A_236 : f32 to vector<16xf32>
        %mul3A_238 = arith.mulf %mul3A_235, %mul3A_237 : vector<16xf32>
        %swap3A_239 = arith.index_cast %scan3A_221 : i32 to index
        %swap3A_240 = arith.constant 0 : index
        %swap3A_241 = tpu.vector_load %arg20[%swap3A_239, %swap3A_240] {strides = array<i32>} : memref<40x128xf32, #tpu.memory_space<vmem>>, vector<1x16xf32>,
        %swap3A_242 = vector.shape_cast %swap3A_241 : vector<1x16xf32> to vector<16xf32>
        %swap3A_243 = vector.shape_cast %mul3A_238 : vector<16xf32> to vector<1x16xf32>
        tpu.vector_store %arg20[%swap3A_239, %swap3A_240], %swap3A_243 {strides = array<i32>} : memref<40x128xf32, #tpu.memory_space<vmem>>, vector<1x16xf32>,
        %lt3A_244 = arith.constant 0 : i32
        %lt3A_245 = vector.broadcast %lt3A_244 : i32 to vector<16xi32>
        %lt3A_246 = arith.cmpi slt, %xor3A_6, %lt3A_245 : vector<16xi32>
        %add3A_247 = arith.constant 16 : i32
        %add3A_248 = vector.broadcast %add3A_247 : i32 to vector<16xi32>
        %add3A_249 = arith.addi %xor3A_6, %add3A_248 : vector<16xi32>
        %select_n3A_250 = arith.select %lt3A_246, %add3A_249, %xor3A_6 : vector<16xi1>, vector<16xi32>
        %broadcast_in_dim3A_251 = vector.shape_cast %select_n3A_250 : vector<16xi32> to vector<16x1xi32>
        %gather3A = vector.shape_cast %broadcast_in_dim3A_251 : vector<16x1xi32> to vector<16xi32>
        %gather3A_252 = tpu.dynamic_gather %mul3A_238[%gather3A] in [0] : vector<16xf32>, vector<16xi32> -> vector<16xf32>
        %add3A_253 = arith.addf %mul3A_238, %gather3A_252 : vector<16xf32>
        %lt3A_254 = arith.constant 0 : i32
        %lt3A_255 = vector.broadcast %lt3A_254 : i32 to vector<16xi32>
        %lt3A_256 = arith.cmpi slt, %xor3A_9, %lt3A_255 : vector<16xi32>
        %add3A_257 = arith.constant 16 : i32
        %add3A_258 = vector.broadcast %add3A_257 : i32 to vector<16xi32>
        %add3A_259 = arith.addi %xor3A_9, %add3A_258 : vector<16xi32>
        %select_n3A_260 = arith.select %lt3A_256, %add3A_259, %xor3A_9 : vector<16xi1>, vector<16xi32>
        %broadcast_in_dim3A_261 = vector.shape_cast %select_n3A_260 : vector<16xi32> to vector<16x1xi32>
        %gather3A_262 = vector.shape_cast %broadcast_in_dim3A_261 : vector<16x1xi32> to vector<16xi32>
        %gather3A_263 = tpu.dynamic_gather %add3A_253[%gather3A_262] in [0] : vector<16xf32>, vector<16xi32> -> vector<16xf32>
        %add3A_264 = arith.addf %add3A_253, %gather3A_263 : vector<16xf32>
        %lt3A_265 = arith.constant 0 : i32
        %lt3A_266 = vector.broadcast %lt3A_265 : i32 to vector<16xi32>
        %lt3A_267 = arith.cmpi slt, %xor3A_12, %lt3A_266 : vector<16xi32>
        %add3A_268 = arith.constant 16 : i32
        %add3A_269 = vector.broadcast %add3A_268 : i32 to vector<16xi32>
        %add3A_270 = arith.addi %xor3A_12, %add3A_269 : vector<16xi32>
        %select_n3A_271 = arith.select %lt3A_267, %add3A_270, %xor3A_12 : vector<16xi1>, vector<16xi32>
        %broadcast_in_dim3A_272 = vector.shape_cast %select_n3A_271 : vector<16xi32> to vector<16x1xi32>
        %gather3A_273 = vector.shape_cast %broadcast_in_dim3A_272 : vector<16x1xi32> to vector<16xi32>
        %gather3A_274 = tpu.dynamic_gather %add3A_264[%gather3A_273] in [0] : vector<16xf32>, vector<16xi32> -> vector<16xf32>
        %add3A_275 = arith.addf %add3A_264, %gather3A_274 : vector<16xf32>
        %lt3A_276 = arith.constant 0 : i32
        %lt3A_277 = vector.broadcast %lt3A_276 : i32 to vector<16xi32>
        %lt3A_278 = arith.cmpi slt, %xor3A_15, %lt3A_277 : vector<16xi32>
        %add3A_279 = arith.constant 16 : i32
        %add3A_280 = vector.broadcast %add3A_279 : i32 to vector<16xi32>
        %add3A_281 = arith.addi %xor3A_15, %add3A_280 : vector<16xi32>
        %select_n3A_282 = arith.select %lt3A_278, %add3A_281, %xor3A_15 : vector<16xi1>, vector<16xi32>
        %broadcast_in_dim3A_283 = vector.shape_cast %select_n3A_282 : vector<16xi32> to vector<16x1xi32>
        %gather3A_284 = vector.shape_cast %broadcast_in_dim3A_283 : vector<16x1xi32> to vector<16xi32>
        %gather3A_285 = tpu.dynamic_gather %add3A_275[%gather3A_284] in [0] : vector<16xf32>, vector<16xi32> -> vector<16xf32>
        %add3A_286 = arith.addf %add3A_275, %gather3A_285 : vector<16xf32>
        %exp3A = math.exp %add3A_286 : vector<16xf32>
        %get3A_287 = arith.index_cast %scan3A_221 : i32 to index
        %get3A_288 = arith.constant 0 : index
        %get3A_289 = tpu.vector_load %arg18[%get3A_287, %get3A_288] {strides = array<i32>} : memref<40x128xf32, #tpu.memory_space<vmem>>, vector<1x16xf32>,
        %get3A_290 = vector.shape_cast %get3A_289 : vector<1x16xf32> to vector<16xf32>
        %mul3A_291 = arith.mulf %exp3A, %get3A_290 : vector<16xf32>
        %swap3A_292 = arith.index_cast %scan3A_221 : i32 to index
        %swap3A_293 = arith.constant 0 : index
        %swap3A_294 = tpu.vector_load %arg21[%swap3A_292, %swap3A_293] {strides = array<i32>} : memref<40x128xf32, #tpu.memory_space<vmem>>, vector<1x16xf32>,
        %swap3A_295 = vector.shape_cast %swap3A_294 : vector<1x16xf32> to vector<16xf32>
        %swap3A_296 = vector.shape_cast %mul3A_291 : vector<16xf32> to vector<1x16xf32>
        tpu.vector_store %arg21[%swap3A_292, %swap3A_293], %swap3A_296 {strides = array<i32>} : memref<40x128xf32, #tpu.memory_space<vmem>>, vector<1x16xf32>,
        %mul3A_297 = arith.mulf %exp3A, %convert_element_type3A : vector<16xf32>
        %add3A_298 = arith.addf %broadcast_in_dim3A_16, %mul3A_297 : vector<16xf32>
        %get3A_299 = arith.index_cast %scan3A_221 : i32 to index
        %get3A_300 = arith.constant 16 : index
        %get3A_301 = tpu.vector_load %arg16[%get3A_299, %get3A_300] {strides = array<i32>} : memref<40x128xf32, #tpu.memory_space<vmem>>, vector<1x16xf32>,
        %get3A_302 = vector.shape_cast %get3A_301 : vector<1x16xf32> to vector<16xf32>
        %get3A_303 = arith.index_cast %scan3A_221 : i32 to index
        %get3A_304 = arith.constant 16 : index
        %get3A_305 = tpu.vector_load %arg17[%get3A_303, %get3A_304] {strides = array<i32>} : memref<40x128xf32, #tpu.memory_space<vmem>>, vector<1x16xf32>,
        %get3A_306 = vector.shape_cast %get3A_305 : vector<1x16xf32> to vector<16xf32>
        %mul3A_307 = arith.mulf %get3A_302, %get3A_306 : vector<16xf32>
        %get3A_308 = arith.index_cast %scan3A_221 : i32 to index
        %get3A_309 = arith.constant 16 : index
        %get3A_310 = tpu.vector_load %arg19[%get3A_308, %get3A_309] {strides = array<i32>} : memref<40x128xf32, #tpu.memory_space<vmem>>, vector<1x16xf32>,
        %get3A_311 = vector.shape_cast %get3A_310 : vector<1x16xf32> to vector<16xf32>
        %mul3A_312 = arith.mulf %mul3A_307, %get3A_311 : vector<16xf32>
        %mul3A_313 = arith.constant 2.500000e-01 : f32
        %mul3A_314 = vector.broadcast %mul3A_313 : f32 to vector<16xf32>
        %mul3A_315 = arith.mulf %mul3A_312, %mul3A_314 : vector<16xf32>
        %swap3A_316 = arith.index_cast %scan3A_221 : i32 to index
        %swap3A_317 = arith.constant 16 : index
        %swap3A_318 = tpu.vector_load %arg20[%swap3A_316, %swap3A_317] {strides = array<i32>} : memref<40x128xf32, #tpu.memory_space<vmem>>, vector<1x16xf32>,
        %swap3A_319 = vector.shape_cast %swap3A_318 : vector<1x16xf32> to vector<16xf32>
        %swap3A_320 = vector.shape_cast %mul3A_315 : vector<16xf32> to vector<1x16xf32>
        tpu.vector_store %arg20[%swap3A_316, %swap3A_317], %swap3A_320 {strides = array<i32>} : memref<40x128xf32, #tpu.memory_space<vmem>>, vector<1x16xf32>,
        %lt3A_321 = arith.constant 0 : i32
        %lt3A_322 = vector.broadcast %lt3A_321 : i32 to vector<16xi32>
        %lt3A_323 = arith.cmpi slt, %xor3A_6, %lt3A_322 : vector<16xi32>
        %add3A_324 = arith.constant 16 : i32
        %add3A_325 = vector.broadcast %add3A_324 : i32 to vector<16xi32>
        %add3A_326 = arith.addi %xor3A_6, %add3A_325 : vector<16xi32>
        %select_n3A_327 = arith.select %lt3A_323, %add3A_326, %xor3A_6 : vector<16xi1>, vector<16xi32>
        %broadcast_in_dim3A_328 = vector.shape_cast %select_n3A_327 : vector<16xi32> to vector<16x1xi32>
        %gather3A_329 = vector.shape_cast %broadcast_in_dim3A_328 : vector<16x1xi32> to vector<16xi32>
        %gather3A_330 = tpu.dynamic_gather %mul3A_315[%gather3A_329] in [0] : vector<16xf32>, vector<16xi32> -> vector<16xf32>
        %add3A_331 = arith.addf %mul3A_315, %gather3A_330 : vector<16xf32>
        %lt3A_332 = arith.constant 0 : i32
        %lt3A_333 = vector.broadcast %lt3A_332 : i32 to vector<16xi32>
        %lt3A_334 = arith.cmpi slt, %xor3A_9, %lt3A_333 : vector<16xi32>
        %add3A_335 = arith.constant 16 : i32
        %add3A_336 = vector.broadcast %add3A_335 : i32 to vector<16xi32>
        %add3A_337 = arith.addi %xor3A_9, %add3A_336 : vector<16xi32>
        %select_n3A_338 = arith.select %lt3A_334, %add3A_337, %xor3A_9 : vector<16xi1>, vector<16xi32>
        %broadcast_in_dim3A_339 = vector.shape_cast %select_n3A_338 : vector<16xi32> to vector<16x1xi32>
        %gather3A_340 = vector.shape_cast %broadcast_in_dim3A_339 : vector<16x1xi32> to vector<16xi32>
        %gather3A_341 = tpu.dynamic_gather %add3A_331[%gather3A_340] in [0] : vector<16xf32>, vector<16xi32> -> vector<16xf32>
        %add3A_342 = arith.addf %add3A_331, %gather3A_341 : vector<16xf32>
        %lt3A_343 = arith.constant 0 : i32
        %lt3A_344 = vector.broadcast %lt3A_343 : i32 to vector<16xi32>
        %lt3A_345 = arith.cmpi slt, %xor3A_12, %lt3A_344 : vector<16xi32>
        %add3A_346 = arith.constant 16 : i32
        %add3A_347 = vector.broadcast %add3A_346 : i32 to vector<16xi32>
        %add3A_348 = arith.addi %xor3A_12, %add3A_347 : vector<16xi32>
        %select_n3A_349 = arith.select %lt3A_345, %add3A_348, %xor3A_12 : vector<16xi1>, vector<16xi32>
        %broadcast_in_dim3A_350 = vector.shape_cast %select_n3A_349 : vector<16xi32> to vector<16x1xi32>
        %gather3A_351 = vector.shape_cast %broadcast_in_dim3A_350 : vector<16x1xi32> to vector<16xi32>
        %gather3A_352 = tpu.dynamic_gather %add3A_342[%gather3A_351] in [0] : vector<16xf32>, vector<16xi32> -> vector<16xf32>
        %add3A_353 = arith.addf %add3A_342, %gather3A_352 : vector<16xf32>
        %lt3A_354 = arith.constant 0 : i32
        %lt3A_355 = vector.broadcast %lt3A_354 : i32 to vector<16xi32>
        %lt3A_356 = arith.cmpi slt, %xor3A_15, %lt3A_355 : vector<16xi32>
        %add3A_357 = arith.constant 16 : i32
        %add3A_358 = vector.broadcast %add3A_357 : i32 to vector<16xi32>
        %add3A_359 = arith.addi %xor3A_15, %add3A_358 : vector<16xi32>
        %select_n3A_360 = arith.select %lt3A_356, %add3A_359, %xor3A_15 : vector<16xi1>, vector<16xi32>
        %broadcast_in_dim3A_361 = vector.shape_cast %select_n3A_360 : vector<16xi32> to vector<16x1xi32>
        %gather3A_362 = vector.shape_cast %broadcast_in_dim3A_361 : vector<16x1xi32> to vector<16xi32>
        %gather3A_363 = tpu.dynamic_gather %add3A_353[%gather3A_362] in [0] : vector<16xf32>, vector<16xi32> -> vector<16xf32>
        %add3A_364 = arith.addf %add3A_353, %gather3A_363 : vector<16xf32>
        %exp3A_365 = math.exp %add3A_364 : vector<16xf32>
        %get3A_366 = arith.index_cast %scan3A_221 : i32 to index
        %get3A_367 = arith.constant 16 : index
        %get3A_368 = tpu.vector_load %arg18[%get3A_366, %get3A_367] {strides = array<i32>} : memref<40x128xf32, #tpu.memory_space<vmem>>, vector<1x16xf32>,
        %get3A_369 = vector.shape_cast %get3A_368 : vector<1x16xf32> to vector<16xf32>
        %mul3A_370 = arith.mulf %exp3A_365, %get3A_369 : vector<16xf32>
        %swap3A_371 = arith.index_cast %scan3A_221 : i32 to index
        %swap3A_372 = arith.constant 16 : index
        %swap3A_373 = tpu.vector_load %arg21[%swap3A_371, %swap3A_372] {strides = array<i32>} : memref<40x128xf32, #tpu.memory_space<vmem>>, vector<1x16xf32>,
        %swap3A_374 = vector.shape_cast %swap3A_373 : vector<1x16xf32> to vector<16xf32>
        %swap3A_375 = vector.shape_cast %mul3A_370 : vector<16xf32> to vector<1x16xf32>
        tpu.vector_store %arg21[%swap3A_371, %swap3A_372], %swap3A_375 {strides = array<i32>} : memref<40x128xf32, #tpu.memory_space<vmem>>, vector<1x16xf32>,
        %mul3A_376 = arith.mulf %exp3A_365, %convert_element_type3A_27 : vector<16xf32>
        %add3A_377 = arith.addf %add3A_298, %mul3A_376 : vector<16xf32>
        %get3A_378 = arith.index_cast %scan3A_221 : i32 to index
        %get3A_379 = arith.constant 32 : index
        %get3A_380 = tpu.vector_load %arg16[%get3A_378, %get3A_379] {strides = array<i32>} : memref<40x128xf32, #tpu.memory_space<vmem>>, vector<1x16xf32>,
        %get3A_381 = vector.shape_cast %get3A_380 : vector<1x16xf32> to vector<16xf32>
        %get3A_382 = arith.index_cast %scan3A_221 : i32 to index
        %get3A_383 = arith.constant 32 : index
        %get3A_384 = tpu.vector_load %arg17[%get3A_382, %get3A_383] {strides = array<i32>} : memref<40x128xf32, #tpu.memory_space<vmem>>, vector<1x16xf32>,
        %get3A_385 = vector.shape_cast %get3A_384 : vector<1x16xf32> to vector<16xf32>
        %mul3A_386 = arith.mulf %get3A_381, %get3A_385 : vector<16xf32>
        %get3A_387 = arith.index_cast %scan3A_221 : i32 to index
        %get3A_388 = arith.constant 32 : index
        %get3A_389 = tpu.vector_load %arg19[%get3A_387, %get3A_388] {strides = array<i32>} : memref<40x128xf32, #tpu.memory_space<vmem>>, vector<1x16xf32>,
        %get3A_390 = vector.shape_cast %get3A_389 : vector<1x16xf32> to vector<16xf32>
        %mul3A_391 = arith.mulf %mul3A_386, %get3A_390 : vector<16xf32>
        %mul3A_392 = arith.constant 2.500000e-01 : f32
        %mul3A_393 = vector.broadcast %mul3A_392 : f32 to vector<16xf32>
        %mul3A_394 = arith.mulf %mul3A_391, %mul3A_393 : vector<16xf32>
        %swap3A_395 = arith.index_cast %scan3A_221 : i32 to index
        %swap3A_396 = arith.constant 32 : index
        %swap3A_397 = tpu.vector_load %arg20[%swap3A_395, %swap3A_396] {strides = array<i32>} : memref<40x128xf32, #tpu.memory_space<vmem>>, vector<1x16xf32>,
        %swap3A_398 = vector.shape_cast %swap3A_397 : vector<1x16xf32> to vector<16xf32>
        %swap3A_399 = vector.shape_cast %mul3A_394 : vector<16xf32> to vector<1x16xf32>
        tpu.vector_store %arg20[%swap3A_395, %swap3A_396], %swap3A_399 {strides = array<i32>} : memref<40x128xf32, #tpu.memory_space<vmem>>, vector<1x16xf32>,
        %lt3A_400 = arith.constant 0 : i32
        %lt3A_401 = vector.broadcast %lt3A_400 : i32 to vector<16xi32>
        %lt3A_402 = arith.cmpi slt, %xor3A_6, %lt3A_401 : vector<16xi32>
        %add3A_403 = arith.constant 16 : i32
        %add3A_404 = vector.broadcast %add3A_403 : i32 to vector<16xi32>
        %add3A_405 = arith.addi %xor3A_6, %add3A_404 : vector<16xi32>
        %select_n3A_406 = arith.select %lt3A_402, %add3A_405, %xor3A_6 : vector<16xi1>, vector<16xi32>
        %broadcast_in_dim3A_407 = vector.shape_cast %select_n3A_406 : vector<16xi32> to vector<16x1xi32>
        %gather3A_408 = vector.shape_cast %broadcast_in_dim3A_407 : vector<16x1xi32> to vector<16xi32>
        %gather3A_409 = tpu.dynamic_gather %mul3A_394[%gather3A_408] in [0] : vector<16xf32>, vector<16xi32> -> vector<16xf32>
        %add3A_410 = arith.addf %mul3A_394, %gather3A_409 : vector<16xf32>
        %lt3A_411 = arith.constant 0 : i32
        %lt3A_412 = vector.broadcast %lt3A_411 : i32 to vector<16xi32>
        %lt3A_413 = arith.cmpi slt, %xor3A_9, %lt3A_412 : vector<16xi32>
        %add3A_414 = arith.constant 16 : i32
        %add3A_415 = vector.broadcast %add3A_414 : i32 to vector<16xi32>
        %add3A_416 = arith.addi %xor3A_9, %add3A_415 : vector<16xi32>
        %select_n3A_417 = arith.select %lt3A_413, %add3A_416, %xor3A_9 : vector<16xi1>, vector<16xi32>
        %broadcast_in_dim3A_418 = vector.shape_cast %select_n3A_417 : vector<16xi32> to vector<16x1xi32>
        %gather3A_419 = vector.shape_cast %broadcast_in_dim3A_418 : vector<16x1xi32> to vector<16xi32>
        %gather3A_420 = tpu.dynamic_gather %add3A_410[%gather3A_419] in [0] : vector<16xf32>, vector<16xi32> -> vector<16xf32>
        %add3A_421 = arith.addf %add3A_410, %gather3A_420 : vector<16xf32>
        %lt3A_422 = arith.constant 0 : i32
        %lt3A_423 = vector.broadcast %lt3A_422 : i32 to vector<16xi32>
        %lt3A_424 = arith.cmpi slt, %xor3A_12, %lt3A_423 : vector<16xi32>
        %add3A_425 = arith.constant 16 : i32
        %add3A_426 = vector.broadcast %add3A_425 : i32 to vector<16xi32>
        %add3A_427 = arith.addi %xor3A_12, %add3A_426 : vector<16xi32>
        %select_n3A_428 = arith.select %lt3A_424, %add3A_427, %xor3A_12 : vector<16xi1>, vector<16xi32>
        %broadcast_in_dim3A_429 = vector.shape_cast %select_n3A_428 : vector<16xi32> to vector<16x1xi32>
        %gather3A_430 = vector.shape_cast %broadcast_in_dim3A_429 : vector<16x1xi32> to vector<16xi32>
        %gather3A_431 = tpu.dynamic_gather %add3A_421[%gather3A_430] in [0] : vector<16xf32>, vector<16xi32> -> vector<16xf32>
        %add3A_432 = arith.addf %add3A_421, %gather3A_431 : vector<16xf32>
        %lt3A_433 = arith.constant 0 : i32
        %lt3A_434 = vector.broadcast %lt3A_433 : i32 to vector<16xi32>
        %lt3A_435 = arith.cmpi slt, %xor3A_15, %lt3A_434 : vector<16xi32>
        %add3A_436 = arith.constant 16 : i32
        %add3A_437 = vector.broadcast %add3A_436 : i32 to vector<16xi32>
        %add3A_438 = arith.addi %xor3A_15, %add3A_437 : vector<16xi32>
        %select_n3A_439 = arith.select %lt3A_435, %add3A_438, %xor3A_15 : vector<16xi1>, vector<16xi32>
        %broadcast_in_dim3A_440 = vector.shape_cast %select_n3A_439 : vector<16xi32> to vector<16x1xi32>
        %gather3A_441 = vector.shape_cast %broadcast_in_dim3A_440 : vector<16x1xi32> to vector<16xi32>
        %gather3A_442 = tpu.dynamic_gather %add3A_432[%gather3A_441] in [0] : vector<16xf32>, vector<16xi32> -> vector<16xf32>
        %add3A_443 = arith.addf %add3A_432, %gather3A_442 : vector<16xf32>
        %exp3A_444 = math.exp %add3A_443 : vector<16xf32>
        %get3A_445 = arith.index_cast %scan3A_221 : i32 to index
        %get3A_446 = arith.constant 32 : index
        %get3A_447 = tpu.vector_load %arg18[%get3A_445, %get3A_446] {strides = array<i32>} : memref<40x128xf32, #tpu.memory_space<vmem>>, vector<1x16xf32>,
        %get3A_448 = vector.shape_cast %get3A_447 : vector<1x16xf32> to vector<16xf32>
        %mul3A_449 = arith.mulf %exp3A_444, %get3A_448 : vector<16xf32>
        %swap3A_450 = arith.index_cast %scan3A_221 : i32 to index
        %swap3A_451 = arith.constant 32 : index
        %swap3A_452 = tpu.vector_load %arg21[%swap3A_450, %swap3A_451] {strides = array<i32>} : memref<40x128xf32, #tpu.memory_space<vmem>>, vector<1x16xf32>,
        %swap3A_453 = vector.shape_cast %swap3A_452 : vector<1x16xf32> to vector<16xf32>
        %swap3A_454 = vector.shape_cast %mul3A_449 : vector<16xf32> to vector<1x16xf32>
        tpu.vector_store %arg21[%swap3A_450, %swap3A_451], %swap3A_454 {strides = array<i32>} : memref<40x128xf32, #tpu.memory_space<vmem>>, vector<1x16xf32>,
        %mul3A_455 = arith.mulf %exp3A_444, %convert_element_type3A_33 : vector<16xf32>
        %add3A_456 = arith.addf %add3A_377, %mul3A_455 : vector<16xf32>
        %get3A_457 = arith.index_cast %scan3A_221 : i32 to index
        %get3A_458 = arith.constant 48 : index
        %get3A_459 = tpu.vector_load %arg16[%get3A_457, %get3A_458] {strides = array<i32>} : memref<40x128xf32, #tpu.memory_space<vmem>>, vector<1x16xf32>,
        %get3A_460 = vector.shape_cast %get3A_459 : vector<1x16xf32> to vector<16xf32>
        %get3A_461 = arith.index_cast %scan3A_221 : i32 to index
        %get3A_462 = arith.constant 48 : index
        %get3A_463 = tpu.vector_load %arg17[%get3A_461, %get3A_462] {strides = array<i32>} : memref<40x128xf32, #tpu.memory_space<vmem>>, vector<1x16xf32>,
        %get3A_464 = vector.shape_cast %get3A_463 : vector<1x16xf32> to vector<16xf32>
        %mul3A_465 = arith.mulf %get3A_460, %get3A_464 : vector<16xf32>
        %get3A_466 = arith.index_cast %scan3A_221 : i32 to index
        %get3A_467 = arith.constant 48 : index
        %get3A_468 = tpu.vector_load %arg19[%get3A_466, %get3A_467] {strides = array<i32>} : memref<40x128xf32, #tpu.memory_space<vmem>>, vector<1x16xf32>,
        %get3A_469 = vector.shape_cast %get3A_468 : vector<1x16xf32> to vector<16xf32>
        %mul3A_470 = arith.mulf %mul3A_465, %get3A_469 : vector<16xf32>
        %mul3A_471 = arith.constant 2.500000e-01 : f32
        %mul3A_472 = vector.broadcast %mul3A_471 : f32 to vector<16xf32>
        %mul3A_473 = arith.mulf %mul3A_470, %mul3A_472 : vector<16xf32>
        %swap3A_474 = arith.index_cast %scan3A_221 : i32 to index
        %swap3A_475 = arith.constant 48 : index
        %swap3A_476 = tpu.vector_load %arg20[%swap3A_474, %swap3A_475] {strides = array<i32>} : memref<40x128xf32, #tpu.memory_space<vmem>>, vector<1x16xf32>,
        %swap3A_477 = vector.shape_cast %swap3A_476 : vector<1x16xf32> to vector<16xf32>
        %swap3A_478 = vector.shape_cast %mul3A_473 : vector<16xf32> to vector<1x16xf32>
        tpu.vector_store %arg20[%swap3A_474, %swap3A_475], %swap3A_478 {strides = array<i32>} : memref<40x128xf32, #tpu.memory_space<vmem>>, vector<1x16xf32>,
        %lt3A_479 = arith.constant 0 : i32
        %lt3A_480 = vector.broadcast %lt3A_479 : i32 to vector<16xi32>
        %lt3A_481 = arith.cmpi slt, %xor3A_6, %lt3A_480 : vector<16xi32>
        %add3A_482 = arith.constant 16 : i32
        %add3A_483 = vector.broadcast %add3A_482 : i32 to vector<16xi32>
        %add3A_484 = arith.addi %xor3A_6, %add3A_483 : vector<16xi32>
        %select_n3A_485 = arith.select %lt3A_481, %add3A_484, %xor3A_6 : vector<16xi1>, vector<16xi32>
        %broadcast_in_dim3A_486 = vector.shape_cast %select_n3A_485 : vector<16xi32> to vector<16x1xi32>
        %gather3A_487 = vector.shape_cast %broadcast_in_dim3A_486 : vector<16x1xi32> to vector<16xi32>
        %gather3A_488 = tpu.dynamic_gather %mul3A_473[%gather3A_487] in [0] : vector<16xf32>, vector<16xi32> -> vector<16xf32>
        %add3A_489 = arith.addf %mul3A_473, %gather3A_488 : vector<16xf32>
        %lt3A_490 = arith.constant 0 : i32
        %lt3A_491 = vector.broadcast %lt3A_490 : i32 to vector<16xi32>
        %lt3A_492 = arith.cmpi slt, %xor3A_9, %lt3A_491 : vector<16xi32>
        %add3A_493 = arith.constant 16 : i32
        %add3A_494 = vector.broadcast %add3A_493 : i32 to vector<16xi32>
        %add3A_495 = arith.addi %xor3A_9, %add3A_494 : vector<16xi32>
        %select_n3A_496 = arith.select %lt3A_492, %add3A_495, %xor3A_9 : vector<16xi1>, vector<16xi32>
        %broadcast_in_dim3A_497 = vector.shape_cast %select_n3A_496 : vector<16xi32> to vector<16x1xi32>
        %gather3A_498 = vector.shape_cast %broadcast_in_dim3A_497 : vector<16x1xi32> to vector<16xi32>
        %gather3A_499 = tpu.dynamic_gather %add3A_489[%gather3A_498] in [0] : vector<16xf32>, vector<16xi32> -> vector<16xf32>
        %add3A_500 = arith.addf %add3A_489, %gather3A_499 : vector<16xf32>
        %lt3A_501 = arith.constant 0 : i32
        %lt3A_502 = vector.broadcast %lt3A_501 : i32 to vector<16xi32>
        %lt3A_503 = arith.cmpi slt, %xor3A_12, %lt3A_502 : vector<16xi32>
        %add3A_504 = arith.constant 16 : i32
        %add3A_505 = vector.broadcast %add3A_504 : i32 to vector<16xi32>
        %add3A_506 = arith.addi %xor3A_12, %add3A_505 : vector<16xi32>
        %select_n3A_507 = arith.select %lt3A_503, %add3A_506, %xor3A_12 : vector<16xi1>, vector<16xi32>
        %broadcast_in_dim3A_508 = vector.shape_cast %select_n3A_507 : vector<16xi32> to vector<16x1xi32>
        %gather3A_509 = vector.shape_cast %broadcast_in_dim3A_508 : vector<16x1xi32> to vector<16xi32>
        %gather3A_510 = tpu.dynamic_gather %add3A_500[%gather3A_509] in [0] : vector<16xf32>, vector<16xi32> -> vector<16xf32>
        %add3A_511 = arith.addf %add3A_500, %gather3A_510 : vector<16xf32>
        %lt3A_512 = arith.constant 0 : i32
        %lt3A_513 = vector.broadcast %lt3A_512 : i32 to vector<16xi32>
        %lt3A_514 = arith.cmpi slt, %xor3A_15, %lt3A_513 : vector<16xi32>
        %add3A_515 = arith.constant 16 : i32
        %add3A_516 = vector.broadcast %add3A_515 : i32 to vector<16xi32>
        %add3A_517 = arith.addi %xor3A_15, %add3A_516 : vector<16xi32>
        %select_n3A_518 = arith.select %lt3A_514, %add3A_517, %xor3A_15 : vector<16xi1>, vector<16xi32>
        %broadcast_in_dim3A_519 = vector.shape_cast %select_n3A_518 : vector<16xi32> to vector<16x1xi32>
        %gather3A_520 = vector.shape_cast %broadcast_in_dim3A_519 : vector<16x1xi32> to vector<16xi32>
        %gather3A_521 = tpu.dynamic_gather %add3A_511[%gather3A_520] in [0] : vector<16xf32>, vector<16xi32> -> vector<16xf32>
        %add3A_522 = arith.addf %add3A_511, %gather3A_521 : vector<16xf32>
        %exp3A_523 = math.exp %add3A_522 : vector<16xf32>
        %get3A_524 = arith.index_cast %scan3A_221 : i32 to index
        %get3A_525 = arith.constant 48 : index
        %get3A_526 = tpu.vector_load %arg18[%get3A_524, %get3A_525] {strides = array<i32>} : memref<40x128xf32, #tpu.memory_space<vmem>>, vector<1x16xf32>,
        %get3A_527 = vector.shape_cast %get3A_526 : vector<1x16xf32> to vector<16xf32>
        %mul3A_528 = arith.mulf %exp3A_523, %get3A_527 : vector<16xf32>
        %swap3A_529 = arith.index_cast %scan3A_221 : i32 to index
        %swap3A_530 = arith.constant 48 : index
        %swap3A_531 = tpu.vector_load %arg21[%swap3A_529, %swap3A_530] {strides = array<i32>} : memref<40x128xf32, #tpu.memory_space<vmem>>, vector<1x16xf32>,
        %swap3A_532 = vector.shape_cast %swap3A_531 : vector<1x16xf32> to vector<16xf32>
        %swap3A_533 = vector.shape_cast %mul3A_528 : vector<16xf32> to vector<1x16xf32>
        tpu.vector_store %arg21[%swap3A_529, %swap3A_530], %swap3A_533 {strides = array<i32>} : memref<40x128xf32, #tpu.memory_space<vmem>>, vector<1x16xf32>,
        %mul3A_534 = arith.mulf %exp3A_523, %convert_element_type3A_39 : vector<16xf32>
        %add3A_535 = arith.addf %add3A_456, %mul3A_534 : vector<16xf32>
        %get3A_536 = arith.index_cast %scan3A_221 : i32 to index
        %get3A_537 = arith.constant 64 : index
        %get3A_538 = tpu.vector_load %arg16[%get3A_536, %get3A_537] {strides = array<i32>} : memref<40x128xf32, #tpu.memory_space<vmem>>, vector<1x16xf32>,
        %get3A_539 = vector.shape_cast %get3A_538 : vector<1x16xf32> to vector<16xf32>
        %get3A_540 = arith.index_cast %scan3A_221 : i32 to index
        %get3A_541 = arith.constant 64 : index
        %get3A_542 = tpu.vector_load %arg17[%get3A_540, %get3A_541] {strides = array<i32>} : memref<40x128xf32, #tpu.memory_space<vmem>>, vector<1x16xf32>,
        %get3A_543 = vector.shape_cast %get3A_542 : vector<1x16xf32> to vector<16xf32>
        %mul3A_544 = arith.mulf %get3A_539, %get3A_543 : vector<16xf32>
        %get3A_545 = arith.index_cast %scan3A_221 : i32 to index
        %get3A_546 = arith.constant 64 : index
        %get3A_547 = tpu.vector_load %arg19[%get3A_545, %get3A_546] {strides = array<i32>} : memref<40x128xf32, #tpu.memory_space<vmem>>, vector<1x16xf32>,
        %get3A_548 = vector.shape_cast %get3A_547 : vector<1x16xf32> to vector<16xf32>
        %mul3A_549 = arith.mulf %mul3A_544, %get3A_548 : vector<16xf32>
        %mul3A_550 = arith.constant 2.500000e-01 : f32
        %mul3A_551 = vector.broadcast %mul3A_550 : f32 to vector<16xf32>
        %mul3A_552 = arith.mulf %mul3A_549, %mul3A_551 : vector<16xf32>
        %swap3A_553 = arith.index_cast %scan3A_221 : i32 to index
        %swap3A_554 = arith.constant 64 : index
        %swap3A_555 = tpu.vector_load %arg20[%swap3A_553, %swap3A_554] {strides = array<i32>} : memref<40x128xf32, #tpu.memory_space<vmem>>, vector<1x16xf32>,
        %swap3A_556 = vector.shape_cast %swap3A_555 : vector<1x16xf32> to vector<16xf32>
        %swap3A_557 = vector.shape_cast %mul3A_552 : vector<16xf32> to vector<1x16xf32>
        tpu.vector_store %arg20[%swap3A_553, %swap3A_554], %swap3A_557 {strides = array<i32>} : memref<40x128xf32, #tpu.memory_space<vmem>>, vector<1x16xf32>,
        %lt3A_558 = arith.constant 0 : i32
        %lt3A_559 = vector.broadcast %lt3A_558 : i32 to vector<16xi32>
        %lt3A_560 = arith.cmpi slt, %xor3A_6, %lt3A_559 : vector<16xi32>
        %add3A_561 = arith.constant 16 : i32
        %add3A_562 = vector.broadcast %add3A_561 : i32 to vector<16xi32>
        %add3A_563 = arith.addi %xor3A_6, %add3A_562 : vector<16xi32>
        %select_n3A_564 = arith.select %lt3A_560, %add3A_563, %xor3A_6 : vector<16xi1>, vector<16xi32>
        %broadcast_in_dim3A_565 = vector.shape_cast %select_n3A_564 : vector<16xi32> to vector<16x1xi32>
        %gather3A_566 = vector.shape_cast %broadcast_in_dim3A_565 : vector<16x1xi32> to vector<16xi32>
        %gather3A_567 = tpu.dynamic_gather %mul3A_552[%gather3A_566] in [0] : vector<16xf32>, vector<16xi32> -> vector<16xf32>
        %add3A_568 = arith.addf %mul3A_552, %gather3A_567 : vector<16xf32>
        %lt3A_569 = arith.constant 0 : i32
        %lt3A_570 = vector.broadcast %lt3A_569 : i32 to vector<16xi32>
        %lt3A_571 = arith.cmpi slt, %xor3A_9, %lt3A_570 : vector<16xi32>
        %add3A_572 = arith.constant 16 : i32
        %add3A_573 = vector.broadcast %add3A_572 : i32 to vector<16xi32>
        %add3A_574 = arith.addi %xor3A_9, %add3A_573 : vector<16xi32>
        %select_n3A_575 = arith.select %lt3A_571, %add3A_574, %xor3A_9 : vector<16xi1>, vector<16xi32>
        %broadcast_in_dim3A_576 = vector.shape_cast %select_n3A_575 : vector<16xi32> to vector<16x1xi32>
        %gather3A_577 = vector.shape_cast %broadcast_in_dim3A_576 : vector<16x1xi32> to vector<16xi32>
        %gather3A_578 = tpu.dynamic_gather %add3A_568[%gather3A_577] in [0] : vector<16xf32>, vector<16xi32> -> vector<16xf32>
        %add3A_579 = arith.addf %add3A_568, %gather3A_578 : vector<16xf32>
        %lt3A_580 = arith.constant 0 : i32
        %lt3A_581 = vector.broadcast %lt3A_580 : i32 to vector<16xi32>
        %lt3A_582 = arith.cmpi slt, %xor3A_12, %lt3A_581 : vector<16xi32>
        %add3A_583 = arith.constant 16 : i32
        %add3A_584 = vector.broadcast %add3A_583 : i32 to vector<16xi32>
        %add3A_585 = arith.addi %xor3A_12, %add3A_584 : vector<16xi32>
        %select_n3A_586 = arith.select %lt3A_582, %add3A_585, %xor3A_12 : vector<16xi1>, vector<16xi32>
        %broadcast_in_dim3A_587 = vector.shape_cast %select_n3A_586 : vector<16xi32> to vector<16x1xi32>
        %gather3A_588 = vector.shape_cast %broadcast_in_dim3A_587 : vector<16x1xi32> to vector<16xi32>
        %gather3A_589 = tpu.dynamic_gather %add3A_579[%gather3A_588] in [0] : vector<16xf32>, vector<16xi32> -> vector<16xf32>
        %add3A_590 = arith.addf %add3A_579, %gather3A_589 : vector<16xf32>
        %lt3A_591 = arith.constant 0 : i32
        %lt3A_592 = vector.broadcast %lt3A_591 : i32 to vector<16xi32>
        %lt3A_593 = arith.cmpi slt, %xor3A_15, %lt3A_592 : vector<16xi32>
        %add3A_594 = arith.constant 16 : i32
        %add3A_595 = vector.broadcast %add3A_594 : i32 to vector<16xi32>
        %add3A_596 = arith.addi %xor3A_15, %add3A_595 : vector<16xi32>
        %select_n3A_597 = arith.select %lt3A_593, %add3A_596, %xor3A_15 : vector<16xi1>, vector<16xi32>
        %broadcast_in_dim3A_598 = vector.shape_cast %select_n3A_597 : vector<16xi32> to vector<16x1xi32>
        %gather3A_599 = vector.shape_cast %broadcast_in_dim3A_598 : vector<16x1xi32> to vector<16xi32>
        %gather3A_600 = tpu.dynamic_gather %add3A_590[%gather3A_599] in [0] : vector<16xf32>, vector<16xi32> -> vector<16xf32>
        %add3A_601 = arith.addf %add3A_590, %gather3A_600 : vector<16xf32>
        %exp3A_602 = math.exp %add3A_601 : vector<16xf32>
        %get3A_603 = arith.index_cast %scan3A_221 : i32 to index
        %get3A_604 = arith.constant 64 : index
        %get3A_605 = tpu.vector_load %arg18[%get3A_603, %get3A_604] {strides = array<i32>} : memref<40x128xf32, #tpu.memory_space<vmem>>, vector<1x16xf32>,
        %get3A_606 = vector.shape_cast %get3A_605 : vector<1x16xf32> to vector<16xf32>
        %mul3A_607 = arith.mulf %exp3A_602, %get3A_606 : vector<16xf32>
        %swap3A_608 = arith.index_cast %scan3A_221 : i32 to index
        %swap3A_609 = arith.constant 64 : index
        %swap3A_610 = tpu.vector_load %arg21[%swap3A_608, %swap3A_609] {strides = array<i32>} : memref<40x128xf32, #tpu.memory_space<vmem>>, vector<1x16xf32>,
        %swap3A_611 = vector.shape_cast %swap3A_610 : vector<1x16xf32> to vector<16xf32>
        %swap3A_612 = vector.shape_cast %mul3A_607 : vector<16xf32> to vector<1x16xf32>
        tpu.vector_store %arg21[%swap3A_608, %swap3A_609], %swap3A_612 {strides = array<i32>} : memref<40x128xf32, #tpu.memory_space<vmem>>, vector<1x16xf32>,
        %mul3A_613 = arith.mulf %exp3A_602, %convert_element_type3A_45 : vector<16xf32>
        %add3A_614 = arith.addf %add3A_535, %mul3A_613 : vector<16xf32>
        %get3A_615 = arith.index_cast %scan3A_221 : i32 to index
        %get3A_616 = arith.constant 80 : index
        %get3A_617 = tpu.vector_load %arg16[%get3A_615, %get3A_616] {strides = array<i32>} : memref<40x128xf32, #tpu.memory_space<vmem>>, vector<1x16xf32>,
        %get3A_618 = vector.shape_cast %get3A_617 : vector<1x16xf32> to vector<16xf32>
        %get3A_619 = arith.index_cast %scan3A_221 : i32 to index
        %get3A_620 = arith.constant 80 : index
        %get3A_621 = tpu.vector_load %arg17[%get3A_619, %get3A_620] {strides = array<i32>} : memref<40x128xf32, #tpu.memory_space<vmem>>, vector<1x16xf32>,
        %get3A_622 = vector.shape_cast %get3A_621 : vector<1x16xf32> to vector<16xf32>
        %mul3A_623 = arith.mulf %get3A_618, %get3A_622 : vector<16xf32>
        %get3A_624 = arith.index_cast %scan3A_221 : i32 to index
        %get3A_625 = arith.constant 80 : index
        %get3A_626 = tpu.vector_load %arg19[%get3A_624, %get3A_625] {strides = array<i32>} : memref<40x128xf32, #tpu.memory_space<vmem>>, vector<1x16xf32>,
        %get3A_627 = vector.shape_cast %get3A_626 : vector<1x16xf32> to vector<16xf32>
        %mul3A_628 = arith.mulf %mul3A_623, %get3A_627 : vector<16xf32>
        %mul3A_629 = arith.constant 2.500000e-01 : f32
        %mul3A_630 = vector.broadcast %mul3A_629 : f32 to vector<16xf32>
        %mul3A_631 = arith.mulf %mul3A_628, %mul3A_630 : vector<16xf32>
        %swap3A_632 = arith.index_cast %scan3A_221 : i32 to index
        %swap3A_633 = arith.constant 80 : index
        %swap3A_634 = tpu.vector_load %arg20[%swap3A_632, %swap3A_633] {strides = array<i32>} : memref<40x128xf32, #tpu.memory_space<vmem>>, vector<1x16xf32>,
        %swap3A_635 = vector.shape_cast %swap3A_634 : vector<1x16xf32> to vector<16xf32>
        %swap3A_636 = vector.shape_cast %mul3A_631 : vector<16xf32> to vector<1x16xf32>
        tpu.vector_store %arg20[%swap3A_632, %swap3A_633], %swap3A_636 {strides = array<i32>} : memref<40x128xf32, #tpu.memory_space<vmem>>, vector<1x16xf32>,
        %lt3A_637 = arith.constant 0 : i32
        %lt3A_638 = vector.broadcast %lt3A_637 : i32 to vector<16xi32>
        %lt3A_639 = arith.cmpi slt, %xor3A_6, %lt3A_638 : vector<16xi32>
        %add3A_640 = arith.constant 16 : i32
        %add3A_641 = vector.broadcast %add3A_640 : i32 to vector<16xi32>
        %add3A_642 = arith.addi %xor3A_6, %add3A_641 : vector<16xi32>
        %select_n3A_643 = arith.select %lt3A_639, %add3A_642, %xor3A_6 : vector<16xi1>, vector<16xi32>
        %broadcast_in_dim3A_644 = vector.shape_cast %select_n3A_643 : vector<16xi32> to vector<16x1xi32>
        %gather3A_645 = vector.shape_cast %broadcast_in_dim3A_644 : vector<16x1xi32> to vector<16xi32>
        %gather3A_646 = tpu.dynamic_gather %mul3A_631[%gather3A_645] in [0] : vector<16xf32>, vector<16xi32> -> vector<16xf32>
        %add3A_647 = arith.addf %mul3A_631, %gather3A_646 : vector<16xf32>
        %lt3A_648 = arith.constant 0 : i32
        %lt3A_649 = vector.broadcast %lt3A_648 : i32 to vector<16xi32>
        %lt3A_650 = arith.cmpi slt, %xor3A_9, %lt3A_649 : vector<16xi32>
        %add3A_651 = arith.constant 16 : i32
        %add3A_652 = vector.broadcast %add3A_651 : i32 to vector<16xi32>
        %add3A_653 = arith.addi %xor3A_9, %add3A_652 : vector<16xi32>
        %select_n3A_654 = arith.select %lt3A_650, %add3A_653, %xor3A_9 : vector<16xi1>, vector<16xi32>
        %broadcast_in_dim3A_655 = vector.shape_cast %select_n3A_654 : vector<16xi32> to vector<16x1xi32>
        %gather3A_656 = vector.shape_cast %broadcast_in_dim3A_655 : vector<16x1xi32> to vector<16xi32>
        %gather3A_657 = tpu.dynamic_gather %add3A_647[%gather3A_656] in [0] : vector<16xf32>, vector<16xi32> -> vector<16xf32>
        %add3A_658 = arith.addf %add3A_647, %gather3A_657 : vector<16xf32>
        %lt3A_659 = arith.constant 0 : i32
        %lt3A_660 = vector.broadcast %lt3A_659 : i32 to vector<16xi32>
        %lt3A_661 = arith.cmpi slt, %xor3A_12, %lt3A_660 : vector<16xi32>
        %add3A_662 = arith.constant 16 : i32
        %add3A_663 = vector.broadcast %add3A_662 : i32 to vector<16xi32>
        %add3A_664 = arith.addi %xor3A_12, %add3A_663 : vector<16xi32>
        %select_n3A_665 = arith.select %lt3A_661, %add3A_664, %xor3A_12 : vector<16xi1>, vector<16xi32>
        %broadcast_in_dim3A_666 = vector.shape_cast %select_n3A_665 : vector<16xi32> to vector<16x1xi32>
        %gather3A_667 = vector.shape_cast %broadcast_in_dim3A_666 : vector<16x1xi32> to vector<16xi32>
        %gather3A_668 = tpu.dynamic_gather %add3A_658[%gather3A_667] in [0] : vector<16xf32>, vector<16xi32> -> vector<16xf32>
        %add3A_669 = arith.addf %add3A_658, %gather3A_668 : vector<16xf32>
        %lt3A_670 = arith.constant 0 : i32
        %lt3A_671 = vector.broadcast %lt3A_670 : i32 to vector<16xi32>
        %lt3A_672 = arith.cmpi slt, %xor3A_15, %lt3A_671 : vector<16xi32>
        %add3A_673 = arith.constant 16 : i32
        %add3A_674 = vector.broadcast %add3A_673 : i32 to vector<16xi32>
        %add3A_675 = arith.addi %xor3A_15, %add3A_674 : vector<16xi32>
        %select_n3A_676 = arith.select %lt3A_672, %add3A_675, %xor3A_15 : vector<16xi1>, vector<16xi32>
        %broadcast_in_dim3A_677 = vector.shape_cast %select_n3A_676 : vector<16xi32> to vector<16x1xi32>
        %gather3A_678 = vector.shape_cast %broadcast_in_dim3A_677 : vector<16x1xi32> to vector<16xi32>
        %gather3A_679 = tpu.dynamic_gather %add3A_669[%gather3A_678] in [0] : vector<16xf32>, vector<16xi32> -> vector<16xf32>
        %add3A_680 = arith.addf %add3A_669, %gather3A_679 : vector<16xf32>
        %exp3A_681 = math.exp %add3A_680 : vector<16xf32>
        %get3A_682 = arith.index_cast %scan3A_221 : i32 to index
        %get3A_683 = arith.constant 80 : index
        %get3A_684 = tpu.vector_load %arg18[%get3A_682, %get3A_683] {strides = array<i32>} : memref<40x128xf32, #tpu.memory_space<vmem>>, vector<1x16xf32>,
        %get3A_685 = vector.shape_cast %get3A_684 : vector<1x16xf32> to vector<16xf32>
        %mul3A_686 = arith.mulf %exp3A_681, %get3A_685 : vector<16xf32>
        %swap3A_687 = arith.index_cast %scan3A_221 : i32 to index
        %swap3A_688 = arith.constant 80 : index
        %swap3A_689 = tpu.vector_load %arg21[%swap3A_687, %swap3A_688] {strides = array<i32>} : memref<40x128xf32, #tpu.memory_space<vmem>>, vector<1x16xf32>,
        %swap3A_690 = vector.shape_cast %swap3A_689 : vector<1x16xf32> to vector<16xf32>
        %swap3A_691 = vector.shape_cast %mul3A_686 : vector<16xf32> to vector<1x16xf32>
        tpu.vector_store %arg21[%swap3A_687, %swap3A_688], %swap3A_691 {strides = array<i32>} : memref<40x128xf32, #tpu.memory_space<vmem>>, vector<1x16xf32>,
        %mul3A_692 = arith.mulf %exp3A_681, %convert_element_type3A_51 : vector<16xf32>
        %add3A_693 = arith.addf %add3A_614, %mul3A_692 : vector<16xf32>
        %get3A_694 = arith.index_cast %scan3A_221 : i32 to index
        %get3A_695 = arith.constant 96 : index
        %get3A_696 = tpu.vector_load %arg16[%get3A_694, %get3A_695] {strides = array<i32>} : memref<40x128xf32, #tpu.memory_space<vmem>>, vector<1x16xf32>,
        %get3A_697 = vector.shape_cast %get3A_696 : vector<1x16xf32> to vector<16xf32>
        %get3A_698 = arith.index_cast %scan3A_221 : i32 to index
        %get3A_699 = arith.constant 96 : index
        %get3A_700 = tpu.vector_load %arg17[%get3A_698, %get3A_699] {strides = array<i32>} : memref<40x128xf32, #tpu.memory_space<vmem>>, vector<1x16xf32>,
        %get3A_701 = vector.shape_cast %get3A_700 : vector<1x16xf32> to vector<16xf32>
        %mul3A_702 = arith.mulf %get3A_697, %get3A_701 : vector<16xf32>
        %get3A_703 = arith.index_cast %scan3A_221 : i32 to index
        %get3A_704 = arith.constant 96 : index
        %get3A_705 = tpu.vector_load %arg19[%get3A_703, %get3A_704] {strides = array<i32>} : memref<40x128xf32, #tpu.memory_space<vmem>>, vector<1x16xf32>,
        %get3A_706 = vector.shape_cast %get3A_705 : vector<1x16xf32> to vector<16xf32>
        %mul3A_707 = arith.mulf %mul3A_702, %get3A_706 : vector<16xf32>
        %mul3A_708 = arith.constant 2.500000e-01 : f32
        %mul3A_709 = vector.broadcast %mul3A_708 : f32 to vector<16xf32>
        %mul3A_710 = arith.mulf %mul3A_707, %mul3A_709 : vector<16xf32>
        %swap3A_711 = arith.index_cast %scan3A_221 : i32 to index
        %swap3A_712 = arith.constant 96 : index
        %swap3A_713 = tpu.vector_load %arg20[%swap3A_711, %swap3A_712] {strides = array<i32>} : memref<40x128xf32, #tpu.memory_space<vmem>>, vector<1x16xf32>,
        %swap3A_714 = vector.shape_cast %swap3A_713 : vector<1x16xf32> to vector<16xf32>
        %swap3A_715 = vector.shape_cast %mul3A_710 : vector<16xf32> to vector<1x16xf32>
        tpu.vector_store %arg20[%swap3A_711, %swap3A_712], %swap3A_715 {strides = array<i32>} : memref<40x128xf32, #tpu.memory_space<vmem>>, vector<1x16xf32>,
        %lt3A_716 = arith.constant 0 : i32
        %lt3A_717 = vector.broadcast %lt3A_716 : i32 to vector<16xi32>
        %lt3A_718 = arith.cmpi slt, %xor3A_6, %lt3A_717 : vector<16xi32>
        %add3A_719 = arith.constant 16 : i32
        %add3A_720 = vector.broadcast %add3A_719 : i32 to vector<16xi32>
        %add3A_721 = arith.addi %xor3A_6, %add3A_720 : vector<16xi32>
        %select_n3A_722 = arith.select %lt3A_718, %add3A_721, %xor3A_6 : vector<16xi1>, vector<16xi32>
        %broadcast_in_dim3A_723 = vector.shape_cast %select_n3A_722 : vector<16xi32> to vector<16x1xi32>
        %gather3A_724 = vector.shape_cast %broadcast_in_dim3A_723 : vector<16x1xi32> to vector<16xi32>
        %gather3A_725 = tpu.dynamic_gather %mul3A_710[%gather3A_724] in [0] : vector<16xf32>, vector<16xi32> -> vector<16xf32>
        %add3A_726 = arith.addf %mul3A_710, %gather3A_725 : vector<16xf32>
        %lt3A_727 = arith.constant 0 : i32
        %lt3A_728 = vector.broadcast %lt3A_727 : i32 to vector<16xi32>
        %lt3A_729 = arith.cmpi slt, %xor3A_9, %lt3A_728 : vector<16xi32>
        %add3A_730 = arith.constant 16 : i32
        %add3A_731 = vector.broadcast %add3A_730 : i32 to vector<16xi32>
        %add3A_732 = arith.addi %xor3A_9, %add3A_731 : vector<16xi32>
        %select_n3A_733 = arith.select %lt3A_729, %add3A_732, %xor3A_9 : vector<16xi1>, vector<16xi32>
        %broadcast_in_dim3A_734 = vector.shape_cast %select_n3A_733 : vector<16xi32> to vector<16x1xi32>
        %gather3A_735 = vector.shape_cast %broadcast_in_dim3A_734 : vector<16x1xi32> to vector<16xi32>
        %gather3A_736 = tpu.dynamic_gather %add3A_726[%gather3A_735] in [0] : vector<16xf32>, vector<16xi32> -> vector<16xf32>
        %add3A_737 = arith.addf %add3A_726, %gather3A_736 : vector<16xf32>
        %lt3A_738 = arith.constant 0 : i32
        %lt3A_739 = vector.broadcast %lt3A_738 : i32 to vector<16xi32>
        %lt3A_740 = arith.cmpi slt, %xor3A_12, %lt3A_739 : vector<16xi32>
        %add3A_741 = arith.constant 16 : i32
        %add3A_742 = vector.broadcast %add3A_741 : i32 to vector<16xi32>
        %add3A_743 = arith.addi %xor3A_12, %add3A_742 : vector<16xi32>
        %select_n3A_744 = arith.select %lt3A_740, %add3A_743, %xor3A_12 : vector<16xi1>, vector<16xi32>
        %broadcast_in_dim3A_745 = vector.shape_cast %select_n3A_744 : vector<16xi32> to vector<16x1xi32>
        %gather3A_746 = vector.shape_cast %broadcast_in_dim3A_745 : vector<16x1xi32> to vector<16xi32>
        %gather3A_747 = tpu.dynamic_gather %add3A_737[%gather3A_746] in [0] : vector<16xf32>, vector<16xi32> -> vector<16xf32>
        %add3A_748 = arith.addf %add3A_737, %gather3A_747 : vector<16xf32>
        %lt3A_749 = arith.constant 0 : i32
        %lt3A_750 = vector.broadcast %lt3A_749 : i32 to vector<16xi32>
        %lt3A_751 = arith.cmpi slt, %xor3A_15, %lt3A_750 : vector<16xi32>
        %add3A_752 = arith.constant 16 : i32
        %add3A_753 = vector.broadcast %add3A_752 : i32 to vector<16xi32>
        %add3A_754 = arith.addi %xor3A_15, %add3A_753 : vector<16xi32>
        %select_n3A_755 = arith.select %lt3A_751, %add3A_754, %xor3A_15 : vector<16xi1>, vector<16xi32>
        %broadcast_in_dim3A_756 = vector.shape_cast %select_n3A_755 : vector<16xi32> to vector<16x1xi32>
        %gather3A_757 = vector.shape_cast %broadcast_in_dim3A_756 : vector<16x1xi32> to vector<16xi32>
        %gather3A_758 = tpu.dynamic_gather %add3A_748[%gather3A_757] in [0] : vector<16xf32>, vector<16xi32> -> vector<16xf32>
        %add3A_759 = arith.addf %add3A_748, %gather3A_758 : vector<16xf32>
        %exp3A_760 = math.exp %add3A_759 : vector<16xf32>
        %get3A_761 = arith.index_cast %scan3A_221 : i32 to index
        %get3A_762 = arith.constant 96 : index
        %get3A_763 = tpu.vector_load %arg18[%get3A_761, %get3A_762] {strides = array<i32>} : memref<40x128xf32, #tpu.memory_space<vmem>>, vector<1x16xf32>,
        %get3A_764 = vector.shape_cast %get3A_763 : vector<1x16xf32> to vector<16xf32>
        %mul3A_765 = arith.mulf %exp3A_760, %get3A_764 : vector<16xf32>
        %swap3A_766 = arith.index_cast %scan3A_221 : i32 to index
        %swap3A_767 = arith.constant 96 : index
        %swap3A_768 = tpu.vector_load %arg21[%swap3A_766, %swap3A_767] {strides = array<i32>} : memref<40x128xf32, #tpu.memory_space<vmem>>, vector<1x16xf32>,
        %swap3A_769 = vector.shape_cast %swap3A_768 : vector<1x16xf32> to vector<16xf32>
        %swap3A_770 = vector.shape_cast %mul3A_765 : vector<16xf32> to vector<1x16xf32>
        tpu.vector_store %arg21[%swap3A_766, %swap3A_767], %swap3A_770 {strides = array<i32>} : memref<40x128xf32, #tpu.memory_space<vmem>>, vector<1x16xf32>,
        %mul3A_771 = arith.mulf %exp3A_760, %convert_element_type3A_57 : vector<16xf32>
        %add3A_772 = arith.addf %add3A_693, %mul3A_771 : vector<16xf32>
        %get3A_773 = arith.index_cast %scan3A_221 : i32 to index
        %get3A_774 = arith.constant 112 : index
        %get3A_775 = tpu.vector_load %arg16[%get3A_773, %get3A_774] {strides = array<i32>} : memref<40x128xf32, #tpu.memory_space<vmem>>, vector<1x16xf32>,
        %get3A_776 = vector.shape_cast %get3A_775 : vector<1x16xf32> to vector<16xf32>
        %get3A_777 = arith.index_cast %scan3A_221 : i32 to index
        %get3A_778 = arith.constant 112 : index
        %get3A_779 = tpu.vector_load %arg17[%get3A_777, %get3A_778] {strides = array<i32>} : memref<40x128xf32, #tpu.memory_space<vmem>>, vector<1x16xf32>,
        %get3A_780 = vector.shape_cast %get3A_779 : vector<1x16xf32> to vector<16xf32>
        %mul3A_781 = arith.mulf %get3A_776, %get3A_780 : vector<16xf32>
        %get3A_782 = arith.index_cast %scan3A_221 : i32 to index
        %get3A_783 = arith.constant 112 : index
        %get3A_784 = tpu.vector_load %arg19[%get3A_782, %get3A_783] {strides = array<i32>} : memref<40x128xf32, #tpu.memory_space<vmem>>, vector<1x16xf32>,
        %get3A_785 = vector.shape_cast %get3A_784 : vector<1x16xf32> to vector<16xf32>
        %mul3A_786 = arith.mulf %mul3A_781, %get3A_785 : vector<16xf32>
        %mul3A_787 = arith.constant 2.500000e-01 : f32
        %mul3A_788 = vector.broadcast %mul3A_787 : f32 to vector<16xf32>
        %mul3A_789 = arith.mulf %mul3A_786, %mul3A_788 : vector<16xf32>
        %swap3A_790 = arith.index_cast %scan3A_221 : i32 to index
        %swap3A_791 = arith.constant 112 : index
        %swap3A_792 = tpu.vector_load %arg20[%swap3A_790, %swap3A_791] {strides = array<i32>} : memref<40x128xf32, #tpu.memory_space<vmem>>, vector<1x16xf32>,
        %swap3A_793 = vector.shape_cast %swap3A_792 : vector<1x16xf32> to vector<16xf32>
        %swap3A_794 = vector.shape_cast %mul3A_789 : vector<16xf32> to vector<1x16xf32>
        tpu.vector_store %arg20[%swap3A_790, %swap3A_791], %swap3A_794 {strides = array<i32>} : memref<40x128xf32, #tpu.memory_space<vmem>>, vector<1x16xf32>,
        %lt3A_795 = arith.constant 0 : i32
        %lt3A_796 = vector.broadcast %lt3A_795 : i32 to vector<16xi32>
        %lt3A_797 = arith.cmpi slt, %xor3A_6, %lt3A_796 : vector<16xi32>
        %add3A_798 = arith.constant 16 : i32
        %add3A_799 = vector.broadcast %add3A_798 : i32 to vector<16xi32>
        %add3A_800 = arith.addi %xor3A_6, %add3A_799 : vector<16xi32>
        %select_n3A_801 = arith.select %lt3A_797, %add3A_800, %xor3A_6 : vector<16xi1>, vector<16xi32>
        %broadcast_in_dim3A_802 = vector.shape_cast %select_n3A_801 : vector<16xi32> to vector<16x1xi32>
        %gather3A_803 = vector.shape_cast %broadcast_in_dim3A_802 : vector<16x1xi32> to vector<16xi32>
        %gather3A_804 = tpu.dynamic_gather %mul3A_789[%gather3A_803] in [0] : vector<16xf32>, vector<16xi32> -> vector<16xf32>
        %add3A_805 = arith.addf %mul3A_789, %gather3A_804 : vector<16xf32>
        %lt3A_806 = arith.constant 0 : i32
        %lt3A_807 = vector.broadcast %lt3A_806 : i32 to vector<16xi32>
        %lt3A_808 = arith.cmpi slt, %xor3A_9, %lt3A_807 : vector<16xi32>
        %add3A_809 = arith.constant 16 : i32
        %add3A_810 = vector.broadcast %add3A_809 : i32 to vector<16xi32>
        %add3A_811 = arith.addi %xor3A_9, %add3A_810 : vector<16xi32>
        %select_n3A_812 = arith.select %lt3A_808, %add3A_811, %xor3A_9 : vector<16xi1>, vector<16xi32>
        %broadcast_in_dim3A_813 = vector.shape_cast %select_n3A_812 : vector<16xi32> to vector<16x1xi32>
        %gather3A_814 = vector.shape_cast %broadcast_in_dim3A_813 : vector<16x1xi32> to vector<16xi32>
        %gather3A_815 = tpu.dynamic_gather %add3A_805[%gather3A_814] in [0] : vector<16xf32>, vector<16xi32> -> vector<16xf32>
        %add3A_816 = arith.addf %add3A_805, %gather3A_815 : vector<16xf32>
        %lt3A_817 = arith.constant 0 : i32
        %lt3A_818 = vector.broadcast %lt3A_817 : i32 to vector<16xi32>
        %lt3A_819 = arith.cmpi slt, %xor3A_12, %lt3A_818 : vector<16xi32>
        %add3A_820 = arith.constant 16 : i32
        %add3A_821 = vector.broadcast %add3A_820 : i32 to vector<16xi32>
        %add3A_822 = arith.addi %xor3A_12, %add3A_821 : vector<16xi32>
        %select_n3A_823 = arith.select %lt3A_819, %add3A_822, %xor3A_12 : vector<16xi1>, vector<16xi32>
        %broadcast_in_dim3A_824 = vector.shape_cast %select_n3A_823 : vector<16xi32> to vector<16x1xi32>
        %gather3A_825 = vector.shape_cast %broadcast_in_dim3A_824 : vector<16x1xi32> to vector<16xi32>
        %gather3A_826 = tpu.dynamic_gather %add3A_816[%gather3A_825] in [0] : vector<16xf32>, vector<16xi32> -> vector<16xf32>
        %add3A_827 = arith.addf %add3A_816, %gather3A_826 : vector<16xf32>
        %lt3A_828 = arith.constant 0 : i32
        %lt3A_829 = vector.broadcast %lt3A_828 : i32 to vector<16xi32>
        %lt3A_830 = arith.cmpi slt, %xor3A_15, %lt3A_829 : vector<16xi32>
        %add3A_831 = arith.constant 16 : i32
        %add3A_832 = vector.broadcast %add3A_831 : i32 to vector<16xi32>
        %add3A_833 = arith.addi %xor3A_15, %add3A_832 : vector<16xi32>
        %select_n3A_834 = arith.select %lt3A_830, %add3A_833, %xor3A_15 : vector<16xi1>, vector<16xi32>
        %broadcast_in_dim3A_835 = vector.shape_cast %select_n3A_834 : vector<16xi32> to vector<16x1xi32>
        %gather3A_836 = vector.shape_cast %broadcast_in_dim3A_835 : vector<16x1xi32> to vector<16xi32>
        %gather3A_837 = tpu.dynamic_gather %add3A_827[%gather3A_836] in [0] : vector<16xf32>, vector<16xi32> -> vector<16xf32>
        %add3A_838 = arith.addf %add3A_827, %gather3A_837 : vector<16xf32>
        %exp3A_839 = math.exp %add3A_838 : vector<16xf32>
        %get3A_840 = arith.index_cast %scan3A_221 : i32 to index
        %get3A_841 = arith.constant 112 : index
        %get3A_842 = tpu.vector_load %arg18[%get3A_840, %get3A_841] {strides = array<i32>} : memref<40x128xf32, #tpu.memory_space<vmem>>, vector<1x16xf32>,
        %get3A_843 = vector.shape_cast %get3A_842 : vector<1x16xf32> to vector<16xf32>
        %mul3A_844 = arith.mulf %exp3A_839, %get3A_843 : vector<16xf32>
        %swap3A_845 = arith.index_cast %scan3A_221 : i32 to index
        %swap3A_846 = arith.constant 112 : index
        %swap3A_847 = tpu.vector_load %arg21[%swap3A_845, %swap3A_846] {strides = array<i32>} : memref<40x128xf32, #tpu.memory_space<vmem>>, vector<1x16xf32>,
        %swap3A_848 = vector.shape_cast %swap3A_847 : vector<1x16xf32> to vector<16xf32>
        %swap3A_849 = vector.shape_cast %mul3A_844 : vector<16xf32> to vector<1x16xf32>
        tpu.vector_store %arg21[%swap3A_845, %swap3A_846], %swap3A_849 {strides = array<i32>} : memref<40x128xf32, #tpu.memory_space<vmem>>, vector<1x16xf32>,
        %mul3A_850 = arith.mulf %exp3A_839, %convert_element_type3A_63 : vector<16xf32>
        %add3A_851 = arith.addf %add3A_772, %mul3A_850 : vector<16xf32>
        %jit3A_852 = arith.constant 16 : i32
        %div3A = arith.divsi %scan3A_221, %jit3A_852 : i32
        %sign3A = arith.constant 0 : i32
        %sign3A_853 = arith.cmpi sgt, %scan3A_221, %sign3A : i32
        %sign3A_854 = arith.extui %sign3A_853 : i1 to i32
        %sign3A_855 = arith.constant 0 : i32
        %sign3A_856 = arith.cmpi slt, %scan3A_221, %sign3A_855 : i32
        %sign3A_857 = arith.extui %sign3A_856 : i1 to i32
        %sign3A_858 = arith.subi %sign3A_854, %sign3A_857 : i32
        %sign3A_859 = arith.constant 0 : i32
        %sign3A_860 = arith.cmpi sgt, %jit3A_852, %sign3A_859 : i32
        %sign3A_861 = arith.extui %sign3A_860 : i1 to i32
        %sign3A_862 = arith.constant 0 : i32
        %sign3A_863 = arith.cmpi slt, %jit3A_852, %sign3A_862 : i32
        %sign3A_864 = arith.extui %sign3A_863 : i1 to i32
        %sign3A_865 = arith.subi %sign3A_861, %sign3A_864 : i32
        %ne3A_866 = arith.cmpi ne, %sign3A_858, %sign3A_865 : i32
        %rem3A_867 = arith.remsi %scan3A_221, %jit3A_852 : i32
        %ne3A_868 = arith.constant 0 : i32
        %ne3A_869 = arith.cmpi ne, %rem3A_867, %ne3A_868 : i32
        %and3A_870 = arith.andi %ne3A_866, %ne3A_869 : i1
        %sub3A_871 = arith.constant 1 : i32
        %sub3A_872 = arith.subi %div3A, %sub3A_871 : i32
        %select_n3A_873 = arith.select %and3A_870, %sub3A_872, %div3A : i32
        %mul3A_874 = arith.constant 16 : i32
        %mul3A_875 = arith.muli %select_n3A_873, %mul3A_874 : i32
        %min3A_876 = arith.constant 24 : i32
        %min3A_877 = arith.minsi %mul3A_875, %min3A_876 : i32
        %multiple_of3A_878 = tpu.assume_multiple %min3A_877, 8 : i32
        %sub3A_879 = arith.subi %scan3A_221, %multiple_of3A_878 : i32
        %get3A_880 = arith.index_cast %multiple_of3A_878 : i32 to index
        %get3A_881 = tpu.vector_load %arg14[%get3A_880] {strides = array<i32>} : memref<40xi32, #tpu.memory_space<vmem>>, vector<16xi32>,
        %get3A_882 = vector.shape_cast %get3A_881 : vector<16xi32> to vector<16xi32>
        %broadcast_in_dim3A_883 = vector.broadcast %sub3A_879 : i32 to vector<16xi32>
        %lt3A_884 = arith.constant 0 : i32
        %lt3A_885 = vector.broadcast %lt3A_884 : i32 to vector<16xi32>
        %lt3A_886 = arith.cmpi slt, %broadcast_in_dim3A_883, %lt3A_885 : vector<16xi32>
        %add3A_887 = arith.constant 16 : i32
        %add3A_888 = vector.broadcast %add3A_887 : i32 to vector<16xi32>
        %add3A_889 = arith.addi %broadcast_in_dim3A_883, %add3A_888 : vector<16xi32>
        %select_n3A_890 = arith.select %lt3A_886, %add3A_889, %broadcast_in_dim3A_883 : vector<16xi1>, vector<16xi32>
        %broadcast_in_dim3A_891 = vector.shape_cast %select_n3A_890 : vector<16xi32> to vector<16x1xi32>
        %gather3A_892 = vector.shape_cast %broadcast_in_dim3A_891 : vector<16x1xi32> to vector<16xi32>
        %gather3A_893 = tpu.dynamic_gather %get3A_882[%gather3A_892] in [0] : vector<16xi32>, vector<16xi32> -> vector<16xi32>
        %and3A_894 = arith.constant 7 : i32
        %and3A_895 = vector.broadcast %and3A_894 : i32 to vector<16xi32>
        %and3A_896 = arith.andi %gather3A_893, %and3A_895 : vector<16xi32>
        %xor3A_897 = arith.constant 0 : i32
        %xor3A_898 = vector.broadcast %xor3A_897 : i32 to vector<16xi32>
        %xor3A_899 = arith.xori %and3A_896, %xor3A_898 : vector<16xi32>
        %min3A_900 = arith.minsi %xor3A_899, %broadcast_in_dim3A_18 : vector<16xi32>
        %sub3A_901 = arith.subi %broadcast_in_dim3A_18, %min3A_900 : vector<16xi32>
        %convert_element_type3A_902 = arith.sitofp %sub3A_901 : vector<16xi32> to vector<16xf32>
        %mul3A_903 = arith.mulf %add3A_851, %convert_element_type3A_902 : vector<16xf32>
        %swap3A_904 = arith.index_cast %scan3A_221 : i32 to index
        %swap3A_905 = arith.constant 0 : index
        %swap3A_906 = tpu.vector_load %arg22[%swap3A_904, %swap3A_905] {strides = array<i32>} : memref<40x128xf32, #tpu.memory_space<vmem>>, vector<1x16xf32>,
        %swap3A_907 = vector.shape_cast %swap3A_906 : vector<1x16xf32> to vector<16xf32>
        %swap3A_908 = vector.shape_cast %mul3A_903 : vector<16xf32> to vector<1x16xf32>
        tpu.vector_store %arg22[%swap3A_904, %swap3A_905], %swap3A_908 {strides = array<i32>} : memref<40x128xf32, #tpu.memory_space<vmem>>, vector<1x16xf32>,
        %xor3A_909 = arith.constant 1 : i32
        %xor3A_910 = vector.broadcast %xor3A_909 : i32 to vector<16xi32>
        %xor3A_911 = arith.xori %and3A_896, %xor3A_910 : vector<16xi32>
        %min3A_912 = arith.minsi %xor3A_911, %broadcast_in_dim3A_18 : vector<16xi32>
        %sub3A_913 = arith.subi %broadcast_in_dim3A_18, %min3A_912 : vector<16xi32>
        %convert_element_type3A_914 = arith.sitofp %sub3A_913 : vector<16xi32> to vector<16xf32>
        %mul3A_915 = arith.mulf %add3A_851, %convert_element_type3A_914 : vector<16xf32>
        %swap3A_916 = arith.index_cast %scan3A_221 : i32 to index
        %swap3A_917 = arith.constant 16 : index
        %swap3A_918 = tpu.vector_load %arg22[%swap3A_916, %swap3A_917] {strides = array<i32>} : memref<40x128xf32, #tpu.memory_space<vmem>>, vector<1x16xf32>,
        %swap3A_919 = vector.shape_cast %swap3A_918 : vector<1x16xf32> to vector<16xf32>
        %swap3A_920 = vector.shape_cast %mul3A_915 : vector<16xf32> to vector<1x16xf32>
        tpu.vector_store %arg22[%swap3A_916, %swap3A_917], %swap3A_920 {strides = array<i32>} : memref<40x128xf32, #tpu.memory_space<vmem>>, vector<1x16xf32>,
        %xor3A_921 = arith.constant 2 : i32
        %xor3A_922 = vector.broadcast %xor3A_921 : i32 to vector<16xi32>
        %xor3A_923 = arith.xori %and3A_896, %xor3A_922 : vector<16xi32>
        %min3A_924 = arith.minsi %xor3A_923, %broadcast_in_dim3A_18 : vector<16xi32>
        %sub3A_925 = arith.subi %broadcast_in_dim3A_18, %min3A_924 : vector<16xi32>
        %convert_element_type3A_926 = arith.sitofp %sub3A_925 : vector<16xi32> to vector<16xf32>
        %mul3A_927 = arith.mulf %add3A_851, %convert_element_type3A_926 : vector<16xf32>
        %swap3A_928 = arith.index_cast %scan3A_221 : i32 to index
        %swap3A_929 = arith.constant 32 : index
        %swap3A_930 = tpu.vector_load %arg22[%swap3A_928, %swap3A_929] {strides = array<i32>} : memref<40x128xf32, #tpu.memory_space<vmem>>, vector<1x16xf32>,
        %swap3A_931 = vector.shape_cast %swap3A_930 : vector<1x16xf32> to vector<16xf32>
        %swap3A_932 = vector.shape_cast %mul3A_927 : vector<16xf32> to vector<1x16xf32>
        tpu.vector_store %arg22[%swap3A_928, %swap3A_929], %swap3A_932 {strides = array<i32>} : memref<40x128xf32, #tpu.memory_space<vmem>>, vector<1x16xf32>,
        %xor3A_933 = arith.constant 3 : i32
        %xor3A_934 = vector.broadcast %xor3A_933 : i32 to vector<16xi32>
        %xor3A_935 = arith.xori %and3A_896, %xor3A_934 : vector<16xi32>
        %min3A_936 = arith.minsi %xor3A_935, %broadcast_in_dim3A_18 : vector<16xi32>
        %sub3A_937 = arith.subi %broadcast_in_dim3A_18, %min3A_936 : vector<16xi32>
        %convert_element_type3A_938 = arith.sitofp %sub3A_937 : vector<16xi32> to vector<16xf32>
        %mul3A_939 = arith.mulf %add3A_851, %convert_element_type3A_938 : vector<16xf32>
        %swap3A_940 = arith.index_cast %scan3A_221 : i32 to index
        %swap3A_941 = arith.constant 48 : index
        %swap3A_942 = tpu.vector_load %arg22[%swap3A_940, %swap3A_941] {strides = array<i32>} : memref<40x128xf32, #tpu.memory_space<vmem>>, vector<1x16xf32>,
        %swap3A_943 = vector.shape_cast %swap3A_942 : vector<1x16xf32> to vector<16xf32>
        %swap3A_944 = vector.shape_cast %mul3A_939 : vector<16xf32> to vector<1x16xf32>
        tpu.vector_store %arg22[%swap3A_940, %swap3A_941], %swap3A_944 {strides = array<i32>} : memref<40x128xf32, #tpu.memory_space<vmem>>, vector<1x16xf32>,
        %xor3A_945 = arith.constant 4 : i32
        %xor3A_946 = vector.broadcast %xor3A_945 : i32 to vector<16xi32>
        %xor3A_947 = arith.xori %and3A_896, %xor3A_946 : vector<16xi32>
        %min3A_948 = arith.minsi %xor3A_947, %broadcast_in_dim3A_18 : vector<16xi32>
        %sub3A_949 = arith.subi %broadcast_in_dim3A_18, %min3A_948 : vector<16xi32>
        %convert_element_type3A_950 = arith.sitofp %sub3A_949 : vector<16xi32> to vector<16xf32>
        %mul3A_951 = arith.mulf %add3A_851, %convert_element_type3A_950 : vector<16xf32>
        %swap3A_952 = arith.index_cast %scan3A_221 : i32 to index
        %swap3A_953 = arith.constant 64 : index
        %swap3A_954 = tpu.vector_load %arg22[%swap3A_952, %swap3A_953] {strides = array<i32>} : memref<40x128xf32, #tpu.memory_space<vmem>>, vector<1x16xf32>,
        %swap3A_955 = vector.shape_cast %swap3A_954 : vector<1x16xf32> to vector<16xf32>
        %swap3A_956 = vector.shape_cast %mul3A_951 : vector<16xf32> to vector<1x16xf32>
        tpu.vector_store %arg22[%swap3A_952, %swap3A_953], %swap3A_956 {strides = array<i32>} : memref<40x128xf32, #tpu.memory_space<vmem>>, vector<1x16xf32>,
        %xor3A_957 = arith.constant 5 : i32
        %xor3A_958 = vector.broadcast %xor3A_957 : i32 to vector<16xi32>
        %xor3A_959 = arith.xori %and3A_896, %xor3A_958 : vector<16xi32>
        %min3A_960 = arith.minsi %xor3A_959, %broadcast_in_dim3A_18 : vector<16xi32>
        %sub3A_961 = arith.subi %broadcast_in_dim3A_18, %min3A_960 : vector<16xi32>
        %convert_element_type3A_962 = arith.sitofp %sub3A_961 : vector<16xi32> to vector<16xf32>
        %mul3A_963 = arith.mulf %add3A_851, %convert_element_type3A_962 : vector<16xf32>
        %swap3A_964 = arith.index_cast %scan3A_221 : i32 to index
        %swap3A_965 = arith.constant 80 : index
        %swap3A_966 = tpu.vector_load %arg22[%swap3A_964, %swap3A_965] {strides = array<i32>} : memref<40x128xf32, #tpu.memory_space<vmem>>, vector<1x16xf32>,
        %swap3A_967 = vector.shape_cast %swap3A_966 : vector<1x16xf32> to vector<16xf32>
        %swap3A_968 = vector.shape_cast %mul3A_963 : vector<16xf32> to vector<1x16xf32>
        tpu.vector_store %arg22[%swap3A_964, %swap3A_965], %swap3A_968 {strides = array<i32>} : memref<40x128xf32, #tpu.memory_space<vmem>>, vector<1x16xf32>,
        %xor3A_969 = arith.constant 6 : i32
        %xor3A_970 = vector.broadcast %xor3A_969 : i32 to vector<16xi32>
        %xor3A_971 = arith.xori %and3A_896, %xor3A_970 : vector<16xi32>
        %min3A_972 = arith.minsi %xor3A_971, %broadcast_in_dim3A_18 : vector<16xi32>
        %sub3A_973 = arith.subi %broadcast_in_dim3A_18, %min3A_972 : vector<16xi32>
        %convert_element_type3A_974 = arith.sitofp %sub3A_973 : vector<16xi32> to vector<16xf32>
        %mul3A_975 = arith.mulf %add3A_851, %convert_element_type3A_974 : vector<16xf32>
        %swap3A_976 = arith.index_cast %scan3A_221 : i32 to index
        %swap3A_977 = arith.constant 96 : index
        %swap3A_978 = tpu.vector_load %arg22[%swap3A_976, %swap3A_977] {strides = array<i32>} : memref<40x128xf32, #tpu.memory_space<vmem>>, vector<1x16xf32>,
        %swap3A_979 = vector.shape_cast %swap3A_978 : vector<1x16xf32> to vector<16xf32>
        %swap3A_980 = vector.shape_cast %mul3A_975 : vector<16xf32> to vector<1x16xf32>
        tpu.vector_store %arg22[%swap3A_976, %swap3A_977], %swap3A_980 {strides = array<i32>} : memref<40x128xf32, #tpu.memory_space<vmem>>, vector<1x16xf32>,
        %xor3A_981 = arith.constant 7 : i32
        %xor3A_982 = vector.broadcast %xor3A_981 : i32 to vector<16xi32>
        %xor3A_983 = arith.xori %and3A_896, %xor3A_982 : vector<16xi32>
        %min3A_984 = arith.minsi %xor3A_983, %broadcast_in_dim3A_18 : vector<16xi32>
        %sub3A_985 = arith.subi %broadcast_in_dim3A_18, %min3A_984 : vector<16xi32>
        %convert_element_type3A_986 = arith.sitofp %sub3A_985 : vector<16xi32> to vector<16xf32>
        %mul3A_987 = arith.mulf %add3A_851, %convert_element_type3A_986 : vector<16xf32>
        %swap3A_988 = arith.index_cast %scan3A_221 : i32 to index
        %swap3A_989 = arith.constant 112 : index
        %swap3A_990 = tpu.vector_load %arg22[%swap3A_988, %swap3A_989] {strides = array<i32>} : memref<40x128xf32, #tpu.memory_space<vmem>>, vector<1x16xf32>,
        %swap3A_991 = vector.shape_cast %swap3A_990 : vector<1x16xf32> to vector<16xf32>
        %swap3A_992 = vector.shape_cast %mul3A_987 : vector<16xf32> to vector<1x16xf32>
        tpu.vector_store %arg22[%swap3A_988, %swap3A_989], %swap3A_992 {strides = array<i32>} : memref<40x128xf32, #tpu.memory_space<vmem>>, vector<1x16xf32>,
      }
      %scan3A_216 = arith.constant 40 : i32
      %dma_start3A_217 = arith.constant 0 : i32
      %dma_start3A_218 = tpu.memref_slice %arg9[%add3A_88, %dma_start3A_217] : memref<320000x128xf32, #tpu.memory_space<hbm>> -> memref<40x128xf32, #tpu.memory_space<hbm>>
      %dma_start3A_219 = arith.constant 0 : i32
      %dma_start3A_220 = tpu.memref_slice %arg9[%add3A_88, %dma_start3A_219] : memref<320000x128xf32, #tpu.memory_space<hbm>> -> memref<40x128xf32, #tpu.memory_space<hbm>>
      tpu.enqueue_dma source(%arg20 : memref<40x128xf32, #tpu.memory_space<vmem>>) target(%dma_start3A_220 : memref<40x128xf32, #tpu.memory_space<hbm>>) target_semaphore(%arg28 : memref<!tpu.dma_semaphore, #tpu.memory_space<semaphore_mem>>)
      "tpu.region"() ({
        %run_scoped3A = tpu.sem_alloc : memref<!tpu.dma_semaphore, #tpu.memory_space<semaphore_mem>>
        %dma_start3A_221 = arith.constant 0 : i32
        %dma_start3A_222 = arith.constant 0 : i32
        %dma_start3A_223 = tpu.memref_slice %arg23[%dma_start3A_221, %dma_start3A_222] : memref<10240x128xf32, #tpu.memory_space<vmem_shared>> -> memref<10240x128xf32, #tpu.memory_space<vmem_shared>>
        tpu.enqueue_indirect_dma source(%arg21 : memref<40x128xf32, #tpu.memory_space<vmem>>) target(%dma_start3A_223 : memref<10240x128xf32, #tpu.memory_space<vmem_shared>>) offsets(%arg14 : memref<40xi32, #tpu.memory_space<vmem>>) semaphore(%run_scoped3A : memref<!tpu.dma_semaphore, #tpu.memory_space<semaphore_mem>>) {add = true}
        %dma_wait3A_224 = arith.constant 0 : i32
        %dma_wait3A_225 = arith.constant 0 : i32
        %dma_wait3A_226 = tpu.memref_slice %arg23[%dma_wait3A_224, %dma_wait3A_225] : memref<10240x128xf32, #tpu.memory_space<vmem_shared>> -> memref<10240x128xf32, #tpu.memory_space<vmem_shared>>
        tpu.wait_indirect_dma semaphore(%run_scoped3A : memref<!tpu.dma_semaphore, #tpu.memory_space<semaphore_mem>>) src(%arg21 : memref<40x128xf32, #tpu.memory_space<vmem>>) dst(%dma_wait3A_226 : memref<10240x128xf32, #tpu.memory_space<vmem_shared>>)
        tpu.yield
      }) : () -> ()
      "tpu.region"() ({
        %run_scoped3A = tpu.sem_alloc : memref<!tpu.dma_semaphore, #tpu.memory_space<semaphore_mem>>
        %dma_start3A_221 = arith.constant 0 : i32
        %dma_start3A_222 = arith.constant 0 : i32
        %dma_start3A_223 = tpu.memref_slice %arg24[%dma_start3A_221, %dma_start3A_222] : memref<1280x128xf32, #tpu.memory_space<vmem_shared>> -> memref<1280x128xf32, #tpu.memory_space<vmem_shared>>
        tpu.enqueue_indirect_dma source(%arg22 : memref<40x128xf32, #tpu.memory_space<vmem>>) target(%dma_start3A_223 : memref<1280x128xf32, #tpu.memory_space<vmem_shared>>) offsets(%arg15 : memref<40xi32, #tpu.memory_space<vmem>>) semaphore(%run_scoped3A : memref<!tpu.dma_semaphore, #tpu.memory_space<semaphore_mem>>) {add = true}
        %dma_wait3A_224 = arith.constant 0 : i32
        %dma_wait3A_225 = arith.constant 0 : i32
        %dma_wait3A_226 = tpu.memref_slice %arg24[%dma_wait3A_224, %dma_wait3A_225] : memref<1280x128xf32, #tpu.memory_space<vmem_shared>> -> memref<1280x128xf32, #tpu.memory_space<vmem_shared>>
        tpu.wait_indirect_dma semaphore(%run_scoped3A : memref<!tpu.dma_semaphore, #tpu.memory_space<semaphore_mem>>) src(%arg22 : memref<40x128xf32, #tpu.memory_space<vmem>>) dst(%dma_wait3A_226 : memref<1280x128xf32, #tpu.memory_space<vmem_shared>>)
        tpu.yield
      }) : () -> ()
    }
    %scan3A_68 = arith.constant 250 : i32
    %dma_wait3A = arith.constant 0 : i32
    %dma_wait3A_69 = arith.constant 0 : i32
    %dma_wait3A_70 = tpu.memref_slice %arg9[%dma_wait3A, %dma_wait3A_69] : memref<320000x128xf32, #tpu.memory_space<hbm>> -> memref<40x128xf32, #tpu.memory_space<hbm>>
    %dma_wait3A_71 = arith.constant 0 : i32
    %dma_wait3A_72 = arith.constant 0 : i32
    %dma_wait3A_73 = tpu.memref_slice %arg9[%dma_wait3A_71, %dma_wait3A_72] : memref<320000x128xf32, #tpu.memory_space<hbm>> -> memref<40x128xf32, #tpu.memory_space<hbm>>
    tpu.wait_dma2 semaphore(%arg28 : memref<!tpu.dma_semaphore, #tpu.memory_space<semaphore_mem>>) src(%arg20 : memref<40x128xf32, #tpu.memory_space<vmem>>) dst(%dma_wait3A_73 : memref<40x128xf32, #tpu.memory_space<hbm>>)
    %barrier3A_74 = arith.constant 0 : index
    tpu.barrier barrier_id(%barrier3A_74)
    %mul3A_75 = arith.constant 640 : i32
    %mul3A_76 = arith.muli %arg1, %mul3A_75 : i32
    %mul3A_77 = arith.constant 640 : i32
    %mul3A_78 = arith.muli %arg1, %mul3A_77 : i32
    "tpu.region"() ({
      %run_scoped3A = tpu.sem_alloc : memref<!tpu.dma_semaphore, #tpu.memory_space<semaphore_mem>>
      %dma_start3A = arith.constant 0 : i32
      %dma_start3A_83 = tpu.memref_slice %arg10[%arg0, %mul3A_78, %dma_start3A] : memref<2x10240x128xf32, #tpu.memory_space<hbm>> -> memref<1x640x128xf32, #tpu.memory_space<hbm>>
      %dma_start3A_84 = tpu.memref_squeeze %dma_start3A_83 : memref<1x640x128xf32, #tpu.memory_space<hbm>> -> memref<640x128xf32, #tpu.memory_space<hbm>>
      %dma_start3A_85 = arith.constant 0 : i32
      %dma_start3A_86 = tpu.memref_slice %arg23[%mul3A_76, %dma_start3A_85] : memref<10240x128xf32, #tpu.memory_space<vmem_shared>> -> memref<640x128xf32, #tpu.memory_space<vmem_shared>>
      tpu.enqueue_dma source(%dma_start3A_86 : memref<640x128xf32, #tpu.memory_space<vmem_shared>>) target(%dma_start3A_84 : memref<640x128xf32, #tpu.memory_space<hbm>>) target_semaphore(%run_scoped3A : memref<!tpu.dma_semaphore, #tpu.memory_space<semaphore_mem>>)
      %dma_wait3A_87 = arith.constant 0 : i32
      %dma_wait3A_88 = tpu.memref_slice %arg10[%arg0, %mul3A_78, %dma_wait3A_87] : memref<2x10240x128xf32, #tpu.memory_space<hbm>> -> memref<1x640x128xf32, #tpu.memory_space<hbm>>
      %dma_wait3A_89 = tpu.memref_squeeze %dma_wait3A_88 : memref<1x640x128xf32, #tpu.memory_space<hbm>> -> memref<640x128xf32, #tpu.memory_space<hbm>>
      %dma_wait3A_90 = arith.constant 0 : i32
      %dma_wait3A_91 = tpu.memref_slice %arg23[%mul3A_76, %dma_wait3A_90] : memref<10240x128xf32, #tpu.memory_space<vmem_shared>> -> memref<640x128xf32, #tpu.memory_space<vmem_shared>>
      tpu.wait_dma2 semaphore(%run_scoped3A : memref<!tpu.dma_semaphore, #tpu.memory_space<semaphore_mem>>) src(%dma_wait3A_91 : memref<640x128xf32, #tpu.memory_space<vmem_shared>>) dst(%dma_wait3A_89 : memref<640x128xf32, #tpu.memory_space<hbm>>)
      tpu.yield
    }) : () -> ()
    %mul3A_79 = arith.constant 80 : i32
    %mul3A_80 = arith.muli %arg1, %mul3A_79 : i32
    %mul3A_81 = arith.constant 80 : i32
    %mul3A_82 = arith.muli %arg1, %mul3A_81 : i32
    "tpu.region"() ({
      %run_scoped3A = tpu.sem_alloc : memref<!tpu.dma_semaphore, #tpu.memory_space<semaphore_mem>>
      %dma_start3A = arith.constant 0 : i32
      %dma_start3A_83 = tpu.memref_slice %arg11[%arg0, %mul3A_82, %dma_start3A] : memref<2x1280x128xf32, #tpu.memory_space<hbm>> -> memref<1x80x128xf32, #tpu.memory_space<hbm>>
      %dma_start3A_84 = tpu.memref_squeeze %dma_start3A_83 : memref<1x80x128xf32, #tpu.memory_space<hbm>> -> memref<80x128xf32, #tpu.memory_space<hbm>>
      %dma_start3A_85 = arith.constant 0 : i32
      %dma_start3A_86 = tpu.memref_slice %arg24[%mul3A_80, %dma_start3A_85] : memref<1280x128xf32, #tpu.memory_space<vmem_shared>> -> memref<80x128xf32, #tpu.memory_space<vmem_shared>>
      tpu.enqueue_dma source(%dma_start3A_86 : memref<80x128xf32, #tpu.memory_space<vmem_shared>>) target(%dma_start3A_84 : memref<80x128xf32, #tpu.memory_space<hbm>>) target_semaphore(%run_scoped3A : memref<!tpu.dma_semaphore, #tpu.memory_space<semaphore_mem>>)
      %dma_wait3A_87 = arith.constant 0 : i32
      %dma_wait3A_88 = tpu.memref_slice %arg11[%arg0, %mul3A_82, %dma_wait3A_87] : memref<2x1280x128xf32, #tpu.memory_space<hbm>> -> memref<1x80x128xf32, #tpu.memory_space<hbm>>
      %dma_wait3A_89 = tpu.memref_squeeze %dma_wait3A_88 : memref<1x80x128xf32, #tpu.memory_space<hbm>> -> memref<80x128xf32, #tpu.memory_space<hbm>>
      %dma_wait3A_90 = arith.constant 0 : i32
      %dma_wait3A_91 = tpu.memref_slice %arg24[%mul3A_80, %dma_wait3A_90] : memref<1280x128xf32, #tpu.memory_space<vmem_shared>> -> memref<80x128xf32, #tpu.memory_space<vmem_shared>>
      tpu.wait_dma2 semaphore(%run_scoped3A : memref<!tpu.dma_semaphore, #tpu.memory_space<semaphore_mem>>) src(%dma_wait3A_91 : memref<80x128xf32, #tpu.memory_space<vmem_shared>>) dst(%dma_wait3A_89 : memref<80x128xf32, #tpu.memory_space<hbm>>)
      tpu.yield
    }) : () -> ()
    return
  }
}

module attributes {stable_mosaic.version = 14 : i64} {
  func.func @_proj_body(%arg0: i32, %arg1: memref<2000x128xf32, #tpu.memory_space<vmem>>, %arg2: memref<128x128xf32, #tpu.memory_space<vmem>>, %arg3: memref<1x128xf32, #tpu.memory_space<vmem>>, %arg4: memref<128x128xf32, #tpu.memory_space<vmem>>, %arg5: memref<1x128xf32, #tpu.memory_space<vmem>>, %arg6: memref<128x128xf32, #tpu.memory_space<vmem>>, %arg7: memref<1x128xf32, #tpu.memory_space<vmem>>, %arg8: memref<2000x128xf32, #tpu.memory_space<vmem>>, %arg9: memref<2000x128xf32, #tpu.memory_space<vmem>>, %arg10: memref<2000x128xf32, #tpu.memory_space<vmem>>) attributes {dimension_semantics = [#tpu.dimension_semantics<arbitrary>], iteration_bounds = array<i64: 5>, scalar_prefetch = 0 : i64, scratch_operands = 0 : i64, tpu.core_type = #tpu.core_type<tc>, window_params = [{transform_indices = @transform_0, window_bounds = array<i64: 2000, 128>}, {pipeline_mode = #tpu.pipeline_mode<synchronous>, transform_indices = @transform_1, window_bounds = array<i64: 128, 128>}, {pipeline_mode = #tpu.pipeline_mode<synchronous>, transform_indices = @transform_2, window_bounds = array<i64: 1, 128>}, {pipeline_mode = #tpu.pipeline_mode<synchronous>, transform_indices = @transform_3, window_bounds = array<i64: 128, 128>}, {pipeline_mode = #tpu.pipeline_mode<synchronous>, transform_indices = @transform_4, window_bounds = array<i64: 1, 128>}, {pipeline_mode = #tpu.pipeline_mode<synchronous>, transform_indices = @transform_5, window_bounds = array<i64: 128, 128>}, {pipeline_mode = #tpu.pipeline_mode<synchronous>, transform_indices = @transform_6, window_bounds = array<i64: 1, 128>}, {transform_indices = @transform_7, window_bounds = array<i64: 2000, 128>}, {transform_indices = @transform_8, window_bounds = array<i64: 2000, 128>}, {transform_indices = @transform_9, window_bounds = array<i64: 2000, 128>}]} {
    %get3A = arith.constant 0 : index
    %get3A_0 = arith.constant 0 : index
    %get3A_1 = vector.load %arg1[%get3A, %get3A_0] : memref<2000x128xf32, #tpu.memory_space<vmem>>, vector<2000x128xf32>
    %get3A_2 = arith.constant 0 : index
    %get3A_3 = arith.constant 0 : index
    %get3A_4 = vector.load %arg2[%get3A_2, %get3A_3] : memref<128x128xf32, #tpu.memory_space<vmem>>, vector<128x128xf32>
    %dot_general3A = arith.constant dense<0.000000e+00> : vector<2000x128xf32>
    %dot_general3A_5 = tpu.matmul %get3A_1, %get3A_4, %dot_general3A {dimension_numbers = #tpu.dot_dimension_numbers<[1], [0], [0], [1], [0, 0, 1, 1], [], []>, transpose_lhs_hint = false} : vector<2000x128xf32>, vector<128x128xf32>, vector<2000x128xf32> -> vector<2000x128xf32>
    %get3A_6 = arith.constant 0 : index
    %get3A_7 = arith.constant 0 : index
    %get3A_8 = vector.load %arg3[%get3A_6, %get3A_7] : memref<1x128xf32, #tpu.memory_space<vmem>>, vector<1x128xf32>
    %add3A = vector.broadcast %get3A_8 : vector<1x128xf32> to vector<2000x128xf32>
    %add3A_9 = arith.addf %dot_general3A_5, %add3A : vector<2000x128xf32>
    %swap3A = arith.constant 0 : index
    %swap3A_10 = arith.constant 0 : index
    %swap3A_11 = vector.load %arg8[%swap3A, %swap3A_10] : memref<2000x128xf32, #tpu.memory_space<vmem>>, vector<2000x128xf32>
    tpu.vector_store %arg8[%swap3A, %swap3A_10], %add3A_9 {strides = array<i32>} : memref<2000x128xf32, #tpu.memory_space<vmem>>, vector<2000x128xf32>,
    %get3A_12 = arith.constant 0 : index
    %get3A_13 = arith.constant 0 : index
    %get3A_14 = vector.load %arg4[%get3A_12, %get3A_13] : memref<128x128xf32, #tpu.memory_space<vmem>>, vector<128x128xf32>
    %dot_general3A_15 = arith.constant dense<0.000000e+00> : vector<2000x128xf32>
    %dot_general3A_16 = tpu.matmul %get3A_1, %get3A_14, %dot_general3A_15 {dimension_numbers = #tpu.dot_dimension_numbers<[1], [0], [0], [1], [0, 0, 1, 1], [], []>, transpose_lhs_hint = false} : vector<2000x128xf32>, vector<128x128xf32>, vector<2000x128xf32> -> vector<2000x128xf32>
    %get3A_17 = arith.constant 0 : index
    %get3A_18 = arith.constant 0 : index
    %get3A_19 = vector.load %arg5[%get3A_17, %get3A_18] : memref<1x128xf32, #tpu.memory_space<vmem>>, vector<1x128xf32>
    %add3A_20 = vector.broadcast %get3A_19 : vector<1x128xf32> to vector<2000x128xf32>
    %add3A_21 = arith.addf %dot_general3A_16, %add3A_20 : vector<2000x128xf32>
    %swap3A_22 = arith.constant 0 : index
    %swap3A_23 = arith.constant 0 : index
    %swap3A_24 = vector.load %arg9[%swap3A_22, %swap3A_23] : memref<2000x128xf32, #tpu.memory_space<vmem>>, vector<2000x128xf32>
    tpu.vector_store %arg9[%swap3A_22, %swap3A_23], %add3A_21 {strides = array<i32>} : memref<2000x128xf32, #tpu.memory_space<vmem>>, vector<2000x128xf32>,
    %get3A_25 = arith.constant 0 : index
    %get3A_26 = arith.constant 0 : index
    %get3A_27 = vector.load %arg6[%get3A_25, %get3A_26] : memref<128x128xf32, #tpu.memory_space<vmem>>, vector<128x128xf32>
    %dot_general3A_28 = arith.constant dense<0.000000e+00> : vector<2000x128xf32>
    %dot_general3A_29 = tpu.matmul %get3A_1, %get3A_27, %dot_general3A_28 {dimension_numbers = #tpu.dot_dimension_numbers<[1], [0], [0], [1], [0, 0, 1, 1], [], []>, transpose_lhs_hint = false} : vector<2000x128xf32>, vector<128x128xf32>, vector<2000x128xf32> -> vector<2000x128xf32>
    %get3A_30 = arith.constant 0 : index
    %get3A_31 = arith.constant 0 : index
    %get3A_32 = vector.load %arg7[%get3A_30, %get3A_31] : memref<1x128xf32, #tpu.memory_space<vmem>>, vector<1x128xf32>
    %add3A_33 = vector.broadcast %get3A_32 : vector<1x128xf32> to vector<2000x128xf32>
    %add3A_34 = arith.addf %dot_general3A_29, %add3A_33 : vector<2000x128xf32>
    %swap3A_35 = arith.constant 0 : index
    %swap3A_36 = arith.constant 0 : index
    %swap3A_37 = vector.load %arg10[%swap3A_35, %swap3A_36] : memref<2000x128xf32, #tpu.memory_space<vmem>>, vector<2000x128xf32>
    tpu.vector_store %arg10[%swap3A_35, %swap3A_36], %add3A_34 {strides = array<i32>} : memref<2000x128xf32, #tpu.memory_space<vmem>>, vector<2000x128xf32>,
    return
  }
  func.func @transform_0(%arg0: i32) -> (i32, i32) {
    %c0_i32 = arith.constant 0 : i32
    %c0_i32_0 = arith.constant 0 : i32
    return %arg0, %c0_i32 : i32, i32
  }
  func.func @transform_1(%arg0: i32) -> (i32, i32) {
    %c0_i32 = arith.constant 0 : i32
    %c0_i32_0 = arith.constant 0 : i32
    %c0_i32_1 = arith.constant 0 : i32
    return %c0_i32, %c0_i32_0 : i32, i32
  }
  func.func @transform_2(%arg0: i32) -> (i32, i32) {
    %c0_i32 = arith.constant 0 : i32
    %c0_i32_0 = arith.constant 0 : i32
    %c0_i32_1 = arith.constant 0 : i32
    return %c0_i32, %c0_i32_0 : i32, i32
  }
  func.func @transform_3(%arg0: i32) -> (i32, i32) {
    %c0_i32 = arith.constant 0 : i32
    %c0_i32_0 = arith.constant 0 : i32
    %c0_i32_1 = arith.constant 0 : i32
    return %c0_i32, %c0_i32_0 : i32, i32
  }
  func.func @transform_4(%arg0: i32) -> (i32, i32) {
    %c0_i32 = arith.constant 0 : i32
    %c0_i32_0 = arith.constant 0 : i32
    %c0_i32_1 = arith.constant 0 : i32
    return %c0_i32, %c0_i32_0 : i32, i32
  }
  func.func @transform_5(%arg0: i32) -> (i32, i32) {
    %c0_i32 = arith.constant 0 : i32
    %c0_i32_0 = arith.constant 0 : i32
    %c0_i32_1 = arith.constant 0 : i32
    return %c0_i32, %c0_i32_0 : i32, i32
  }
  func.func @transform_6(%arg0: i32) -> (i32, i32) {
    %c0_i32 = arith.constant 0 : i32
    %c0_i32_0 = arith.constant 0 : i32
    %c0_i32_1 = arith.constant 0 : i32
    return %c0_i32, %c0_i32_0 : i32, i32
  }
  func.func @transform_7(%arg0: i32) -> (i32, i32) {
    %c0_i32 = arith.constant 0 : i32
    %c0_i32_0 = arith.constant 0 : i32
    return %arg0, %c0_i32 : i32, i32
  }
  func.func @transform_8(%arg0: i32) -> (i32, i32) {
    %c0_i32 = arith.constant 0 : i32
    %c0_i32_0 = arith.constant 0 : i32
    return %arg0, %c0_i32 : i32, i32
  }
  func.func @transform_9(%arg0: i32) -> (i32, i32) {
    %c0_i32 = arith.constant 0 : i32
    %c0_i32_0 = arith.constant 0 : i32
    return %arg0, %c0_i32 : i32, i32
  }
}

module attributes {stable_mosaic.version = 14 : i64} {
  func.func @_eproj_body(%arg0: i32, %arg1: memref<4000x128xf32, #tpu.memory_space<vmem>>, %arg2: memref<128x128xf32, #tpu.memory_space<vmem>>, %arg3: memref<1x128xf32, #tpu.memory_space<vmem>>, %arg4: memref<4000x128xf32, #tpu.memory_space<vmem>>) attributes {dimension_semantics = [#tpu.dimension_semantics<arbitrary>], iteration_bounds = array<i64: 80>, scalar_prefetch = 0 : i64, scratch_operands = 0 : i64, tpu.core_type = #tpu.core_type<tc>, window_params = [{transform_indices = @transform_0, window_bounds = array<i64: 4000, 128>}, {pipeline_mode = #tpu.pipeline_mode<synchronous>, transform_indices = @transform_1, window_bounds = array<i64: 128, 128>}, {pipeline_mode = #tpu.pipeline_mode<synchronous>, transform_indices = @transform_2, window_bounds = array<i64: 1, 128>}, {transform_indices = @transform_3, window_bounds = array<i64: 4000, 128>}]} {
    %get3A = arith.constant 0 : index
    %get3A_0 = arith.constant 0 : index
    %get3A_1 = vector.load %arg1[%get3A, %get3A_0] : memref<4000x128xf32, #tpu.memory_space<vmem>>, vector<4000x128xf32>
    %get3A_2 = arith.constant 0 : index
    %get3A_3 = arith.constant 0 : index
    %get3A_4 = vector.load %arg2[%get3A_2, %get3A_3] : memref<128x128xf32, #tpu.memory_space<vmem>>, vector<128x128xf32>
    %dot_general3A = arith.constant dense<0.000000e+00> : vector<4000x128xf32>
    %dot_general3A_5 = tpu.matmul %get3A_1, %get3A_4, %dot_general3A {dimension_numbers = #tpu.dot_dimension_numbers<[1], [0], [0], [1], [0, 0, 1, 1], [], []>, transpose_lhs_hint = false} : vector<4000x128xf32>, vector<128x128xf32>, vector<4000x128xf32> -> vector<4000x128xf32>
    %get3A_6 = arith.constant 0 : index
    %get3A_7 = arith.constant 0 : index
    %get3A_8 = vector.load %arg3[%get3A_6, %get3A_7] : memref<1x128xf32, #tpu.memory_space<vmem>>, vector<1x128xf32>
    %add3A = vector.broadcast %get3A_8 : vector<1x128xf32> to vector<4000x128xf32>
    %add3A_9 = arith.addf %dot_general3A_5, %add3A : vector<4000x128xf32>
    %swap3A = arith.constant 0 : index
    %swap3A_10 = arith.constant 0 : index
    %swap3A_11 = vector.load %arg4[%swap3A, %swap3A_10] : memref<4000x128xf32, #tpu.memory_space<vmem>>, vector<4000x128xf32>
    tpu.vector_store %arg4[%swap3A, %swap3A_10], %add3A_9 {strides = array<i32>} : memref<4000x128xf32, #tpu.memory_space<vmem>>, vector<4000x128xf32>,
    return
  }
  func.func @transform_0(%arg0: i32) -> (i32, i32) {
    %c0_i32 = arith.constant 0 : i32
    %c0_i32_0 = arith.constant 0 : i32
    return %arg0, %c0_i32 : i32, i32
  }
  func.func @transform_1(%arg0: i32) -> (i32, i32) {
    %c0_i32 = arith.constant 0 : i32
    %c0_i32_0 = arith.constant 0 : i32
    %c0_i32_1 = arith.constant 0 : i32
    return %c0_i32, %c0_i32_0 : i32, i32
  }
  func.func @transform_2(%arg0: i32) -> (i32, i32) {
    %c0_i32 = arith.constant 0 : i32
    %c0_i32_0 = arith.constant 0 : i32
    %c0_i32_1 = arith.constant 0 : i32
    return %c0_i32, %c0_i32_0 : i32, i32
  }
  func.func @transform_3(%arg0: i32) -> (i32, i32) {
    %c0_i32 = arith.constant 0 : i32
    %c0_i32_0 = arith.constant 0 : i32
    return %arg0, %c0_i32 : i32, i32
  }
}

module attributes {stable_mosaic.version = 14 : i64} {
  func.func @_combine_body(%arg0: i32, %arg1: memref<2000x128xf32, #tpu.memory_space<vmem>>, %arg2: memref<2000x128xf32, #tpu.memory_space<vmem>>, %arg3: memref<2000x8xf32, #tpu.memory_space<vmem>>, %arg4: memref<2000x8xf32, #tpu.memory_space<vmem>>, %arg5: memref<8x128xf32, #tpu.memory_space<vmem>>, %arg6: memref<2000x128xf32, #tpu.memory_space<vmem>>) attributes {dimension_semantics = [#tpu.dimension_semantics<arbitrary>], iteration_bounds = array<i64: 5>, scalar_prefetch = 0 : i64, scratch_operands = 0 : i64, tpu.core_type = #tpu.core_type<tc>, window_params = [{transform_indices = @transform_0, window_bounds = array<i64: 2000, 128>}, {transform_indices = @transform_1, window_bounds = array<i64: 2000, 128>}, {transform_indices = @transform_2, window_bounds = array<i64: 2000, 8>}, {transform_indices = @transform_3, window_bounds = array<i64: 2000, 8>}, {pipeline_mode = #tpu.pipeline_mode<synchronous>, transform_indices = @transform_4, window_bounds = array<i64: 8, 128>}, {transform_indices = @transform_5, window_bounds = array<i64: 2000, 128>}]} {
    %get3A = arith.constant 0 : index
    %get3A_0 = arith.constant 0 : index
    %get3A_1 = vector.load %arg1[%get3A, %get3A_0] : memref<2000x128xf32, #tpu.memory_space<vmem>>, vector<2000x128xf32>
    %get3A_2 = arith.constant 0 : index
    %get3A_3 = arith.constant 0 : index
    %get3A_4 = vector.load %arg2[%get3A_2, %get3A_3] : memref<2000x128xf32, #tpu.memory_space<vmem>>, vector<2000x128xf32>
    %add3A = arith.addf %get3A_1, %get3A_4 : vector<2000x128xf32>
    %get3A_5 = arith.constant 0 : index
    %get3A_6 = arith.constant 0 : index
    %get3A_7 = vector.load %arg3[%get3A_5, %get3A_6] : memref<2000x8xf32, #tpu.memory_space<vmem>>, vector<2000x8xf32>
    %get3A_8 = arith.constant 0 : index
    %get3A_9 = arith.constant 0 : index
    %get3A_10 = vector.load %arg4[%get3A_8, %get3A_9] : memref<2000x8xf32, #tpu.memory_space<vmem>>, vector<2000x8xf32>
    %add3A_11 = arith.addf %get3A_7, %get3A_10 : vector<2000x8xf32>
    %get3A_12 = arith.constant 0 : index
    %get3A_13 = arith.constant 0 : index
    %get3A_14 = vector.load %arg5[%get3A_12, %get3A_13] : memref<8x128xf32, #tpu.memory_space<vmem>>, vector<8x128xf32>
    %dot_general3A = arith.constant dense<0.000000e+00> : vector<2000x128xf32>
    %dot_general3A_15 = tpu.matmul %add3A_11, %get3A_14, %dot_general3A {dimension_numbers = #tpu.dot_dimension_numbers<[1], [0], [0], [1], [0, 0, 1, 1], [], []>, transpose_lhs_hint = false} : vector<2000x8xf32>, vector<8x128xf32>, vector<2000x128xf32> -> vector<2000x128xf32>
    %max3A = arith.constant 1.000000e-30 : f32
    %max3A_16 = vector.broadcast %max3A : f32 to vector<2000x128xf32>
    %max3A_17 = arith.maximumf %dot_general3A_15, %max3A_16 : vector<2000x128xf32>
    %div3A = arith.divf %add3A, %max3A_17 : vector<2000x128xf32>
    %swap3A = arith.constant 0 : index
    %swap3A_18 = arith.constant 0 : index
    %swap3A_19 = vector.load %arg6[%swap3A, %swap3A_18] : memref<2000x128xf32, #tpu.memory_space<vmem>>, vector<2000x128xf32>
    tpu.vector_store %arg6[%swap3A, %swap3A_18], %div3A {strides = array<i32>} : memref<2000x128xf32, #tpu.memory_space<vmem>>, vector<2000x128xf32>,
    return
  }
  func.func @transform_0(%arg0: i32) -> (i32, i32) {
    %c0_i32 = arith.constant 0 : i32
    %c0_i32_0 = arith.constant 0 : i32
    return %arg0, %c0_i32 : i32, i32
  }
  func.func @transform_1(%arg0: i32) -> (i32, i32) {
    %c0_i32 = arith.constant 0 : i32
    %c0_i32_0 = arith.constant 0 : i32
    return %arg0, %c0_i32 : i32, i32
  }
  func.func @transform_2(%arg0: i32) -> (i32, i32) {
    %c0_i32 = arith.constant 0 : i32
    %c0_i32_0 = arith.constant 0 : i32
    return %arg0, %c0_i32 : i32, i32
  }
  func.func @transform_3(%arg0: i32) -> (i32, i32) {
    %c0_i32 = arith.constant 0 : i32
    %c0_i32_0 = arith.constant 0 : i32
    return %arg0, %c0_i32 : i32, i32
  }
  func.func @transform_4(%arg0: i32) -> (i32, i32) {
    %c0_i32 = arith.constant 0 : i32
    %c0_i32_0 = arith.constant 0 : i32
    %c0_i32_1 = arith.constant 0 : i32
    return %c0_i32, %c0_i32_0 : i32, i32
  }
  func.func @transform_5(%arg0: i32) -> (i32, i32) {
    %c0_i32 = arith.constant 0 : i32
    %c0_i32_0 = arith.constant 0 : i32
    return %arg0, %c0_i32 : i32, i32
  }
}

</mosaic_0001>

<sc_bundles>
// kernel: kernel.6.cloned.1.call-start
scs
__scs_entry_jumppad:
0x0: {  	(pc) =	sbr.rel $0x88, $3  }
0x1: {  	(tag) =	ssettag $0x0;
	lr =	simm.s32 $0x1  }
0x2: {  	[smem:$0x3F96] =	sst lr;
	_ =	strace $0xD0000000  }
0x3: {  	_ = 	snop  }
0x4: {  	_ = 	snop  }
0x5: {  	_ = 	snop  }
0x6: {  	_ = 	snop  }
0x7: {  	_ = 	snop  }
__scs_overlays_trampoline_lowered:
0x8: {  	[smem:$0x3FA5] =	sst s0  }
0x9: {  	[smem:$0x3FA6] =	sst s1  }
0xa: {  	[smem:$0x3FA7] =	sst s2  }
0xb: {  	[smem:$0x3FA8] =	sst s3  }
0xc: {  	[smem:$0x3FA9] =	sst s4  }
0xd: {  	[smem:$0x3FAA] =	sst s5  }
0xe: {  	[smem:$0x3FAB] =	sst s6  }
0xf: {  	[smem:$0x3FAC] =	sst s7  }
0x10: {  	[smem:$0x3FAD] =	sst s8  }
0x11: {  	[smem:$0x3FAE] =	sst s9;
	s0 =	simm.s32 @!p0 $0x0  }
0x12: {  	s1 =	sld [smem:$0x3F94];
	s0 =	simm.s32 @p0 $0x1  }
0x13: {  	[smem:$0x3FAF] =	sst s0;
	s0 =	simm.s32 @!p1 $0x0  }
0x14: {  	s2 =	sld [smem:$0x3F93];
	s0 =	simm.s32 @p1 $0x1  }
0x15: {  	[smem:$0x3FB0] =	sst s0;
	s0 =	simm.s32 @!p2 $0x0  }
0x16: {  	s3 =	sld [smem:$0x3FDB];
	s0 =	simm.s32 @p2 $0x1  }
0x17: {  	s4 =	simm.s32 $0x1BF5;
	[smem:$0x3FB2] =	sst s0  }
0x18: {  	s0 =	sld [smem:$0x3F95];
	_ =	swait.ge [sflag:s4], $0x0  }
0x19: {  	s7 =	sld [smem:$0x3F96]  }
0x1a: {  	s8 =	sadd.s32 $0xFFFFE003, lr  }
0x1b: {  	s9 =	sadd.s32 $0xFFFFFEF7, lr;
	s5 =	simm.s32 $0xFFFFFFFF;
	p2 =	slt.u32 s8, $0xFFFFF086  }
0x1c: {  	p1 =	slt.u32 s9, $0xF7A;
	s5 =	simm.s32 @!p2 $0x0  }
0x1d: {  	s5 =	simm.s32 @p1 $0x1;
	p0 =	seq.s32 s7, s2  }
0x1e: {  	s7 =	smul.u32 @!p0 $0xF7A, s2;
	p2 =	seq.s32 @!p0 s5, $0x0  }
0x1f: {  	s9 =	smul.u32 $0xF7A, s1;
	s8 =	simm.s32 @!p0 $0x1BF5;
	p2 =	por !p2, p0  }
0x20: {  	[sflag:s8] =	ssyncset.s32 @!p0 $0xFFFFF086;
	s6 =	sadd.s32 @!p0 s3, s7;
	s7 =	simm.s32 @!p0 $0x108  }
0x21: {  	s3 =	sadd.s32 s3, s9;
	s6 =	sadd.s32 @!p0 $0x88, s6;
	s7 =	simm.s32 @p2 $0x1082  }
0x22: {  	[simem:s7], [sflag:s8] =	dma.local @!p0 [hbm:s6], $0xF7A  }
0x23: {  	s9 =	sor.u32 $0xD0000000, s2;
	s6 =	simm.s32 $0x108;
	_ =	swait.ge @!p0 [sflag:s8], $0x0  }
0x24: {  	s3 =	sadd.s32 $0x88, s3;
	s6 =	simm.s32 @!p1 $0x1082;
	[sflag:s4] =	ssyncset.s32 $0xFFFFF086  }
0x25: {  	[simem:s6], [sflag:s4] =	dma.local [hbm:s3], $0xF7A  }
0x26: {  	[smem:$0x3F96] =	sst s1;
	(tag) =	ssettag s2;
	_ =	strace s9  }
0x27: {  	s1 =	sld [smem:$0x3FA6]  }
0x28: {  	s2 =	sld [smem:$0x3FA7]  }
0x29: {  	s4 =	sld [smem:$0x3FA9]  }
0x2a: {  	p0 =	seq.s32 s5, $0x0;
	s5 =	sld [smem:$0x3FAA]  }
0x2b: {  	s6 =	sld [smem:$0x3FAB]  }
0x2c: {  	s7 =	sld [smem:$0x3FAC]  }
0x2d: {  	s3 =	simm.s32 $0x108;
	s8 =	sld [smem:$0x3FAD]  }
0x2e: {  	s3 =	simm.s32 @!p0 $0x1082;
	s9 =	sld [smem:$0x3FAE]  }
0x2f: {  	lr =	sadd.s32 s0, s3;
	s0 =	sld [smem:$0x3FA5]  }
0x30: {  	s3 =	sld [smem:$0x3FA8]  }
0x31: {  	[smem:$0x3FB1] =	sst s10  }
0x32: {  	s10 =	sld [smem:$0x3FAF];
	_ =	sdelay $0x3  }
0x33: {  	p0 =	seq.s32 s10, $0x1;
	s10 =	sld [smem:$0x3FB1];
	_ =	sdelay $0x3  }
0x34: {  	[smem:$0x3FB1] =	sst s10  }
0x35: {  	s10 =	sld [smem:$0x3FB0];
	_ =	sdelay $0x3  }
0x36: {  	p1 =	seq.s32 s10, $0x1;
	s10 =	sld [smem:$0x3FB1];
	_ =	sdelay $0x3  }
0x37: {  	[smem:$0x3FB1] =	sst s10  }
0x38: {  	s10 =	sld [smem:$0x3FB2]  }
0x39: {  	_ = 	snop;
	(pc) =	sbr.ind lr, $3  }
0x3a: {  	_ = 	snop  }
0x3b: {  	_ = 	snop  }
0x3c: {  	p2 =	seq.s32 s10, $0x1;
	s10 =	sld [smem:$0x3FB1]  }
0x3d: {  	_ =	shalt  }
0x3e: {  	_ =	shalt  }
0x3f: {  	_ =	shalt  }
0x40: {  	_ =	shalt  }
0x41: {  	_ =	shalt  }
0x42: {  	_ =	shalt  }
0x43: {  	_ =	shalt  }
0x44: {  	_ =	shalt  }
0x45: {  	_ =	shalt  }
0x46: {  	_ =	shalt  }
0x47: {  	_ =	shalt  }
0x48: {  	_ =	shalt  }
0x49: {  	_ =	shalt  }
0x4a: {  	_ =	shalt  }
0x4b: {  	_ =	shalt  }
0x4c: {  	_ =	shalt  }
0x4d: {  	_ =	shalt  }
0x4e: {  	_ =	shalt  }
0x4f: {  	_ =	shalt  }
0x50: {  	_ =	shalt  }
0x51: {  	_ =	shalt  }
0x52: {  	_ =	shalt  }
0x53: {  	_ =	shalt  }
0x54: {  	_ =	shalt  }
0x55: {  	_ =	shalt  }
0x56: {  	_ =	shalt  }
0x57: {  	_ =	shalt  }
0x58: {  	_ =	shalt  }
0x59: {  	_ =	shalt  }
0x5a: {  	_ =	shalt  }
0x5b: {  	_ =	shalt  }
0x5c: {  	_ =	shalt  }
0x5d: {  	_ =	shalt  }
0x5e: {  	_ =	shalt  }
0x5f: {  	_ =	shalt  }
0x60: {  	_ =	shalt  }
0x61: {  	_ =	shalt  }
0x62: {  	_ =	shalt  }
0x63: {  	_ =	shalt  }
0x64: {  	_ =	shalt  }
0x65: {  	_ =	shalt  }
0x66: {  	_ =	shalt  }
0x67: {  	_ =	shalt  }
0x68: {  	_ =	shalt  }
0x69: {  	_ =	shalt  }
0x6a: {  	_ =	shalt  }
0x6b: {  	_ =	shalt  }
0x6c: {  	_ =	shalt  }
0x6d: {  	_ =	shalt  }
0x6e: {  	_ =	shalt  }
0x6f: {  	_ =	shalt  }
0x70: {  	_ =	shalt  }
0x71: {  	_ =	shalt  }
0x72: {  	_ =	shalt  }
0x73: {  	_ =	shalt  }
0x74: {  	_ =	shalt  }
0x75: {  	_ =	shalt  }
0x76: {  	_ =	shalt  }
0x77: {  	_ =	shalt  }
0x78: {  	_ =	shalt  }
0x79: {  	_ =	shalt  }
0x7a: {  	_ =	shalt  }
0x7b: {  	_ =	shalt  }
0x7c: {  	_ =	shalt  }
0x7d: {  	_ =	shalt  }
0x7e: {  	_ =	shalt  }
0x7f: {  	_ =	shalt  }
0x80: {  	_ =	shalt  }
0x81: {  	_ =	shalt  }
0x82: {  	_ =	shalt  }
0x83: {  	_ =	shalt  }
0x84: {  	_ =	shalt  }
0x85: {  	_ =	shalt  }
0x86: {  	_ =	shalt  }
0x87: {  	_ =	shalt  }
.Lfunc_end0:
.L_simem_size_0:
called_computation_lowered:
.L_overlay_start_0:
0x88: {  	s2 =	sld [smem:$0x3FD9]  }
0x89: {  	s3 =	sld [smem:$0x3FFE];
	_ =	sdelay $0x1  }
0x8a: {  	s1 =	srdreg.scid  }
0x8b: {  	s0 =	sand.u32 $0x1, s1  }
0x8c: {  	s14 =	sshll.u32 s0, $0xA;
	s2 =	sadd.s32 s3, s2  }
0x8d: {  	s2 =	sadd.s32 s2, s14  }
0x8e: {  	[smem:$0x3FBD] =	sst s2  }
0x8f: {  	_ = 	snop  }
0x90: {  	s2 =	sld [smem:$0x3FD0];
	_ =	sdelay $0x2  }
0x91: {  	s15 =	simm.s32 $0xA;
	s4 =	simm.s32 $0x10  }
0x92: {  	[smem:s4], [sflag:s15] =	dma.local [hbm:s2], $0x1  }
0x93: {  	_ =	swait.eq [sflag:s15], $0x1  }
0x94: {  	[sflag:s15] =	ssyncset.done $0x0  }
0x95: {  	s16 =	sld [smem:$0x10];
	[sflag:s15] =	ssyncadd.s32 $0xFFFFFFFF  }
0x96: {  	s17 =	sld [smem:$0x11];
	(tm) =	ssettm $0x1  }
0x97: {  	s18 =	sld [smem:$0x3FFB];
	_ =	sdelay $0x3  }
0x98: {  	_ =	strace s18  }
0x99: {  	s4 =	sld [smem:$0x3FFC];
	_ =	sdelay $0x3  }
0x9a: {  	_ =	strace s4  }
0x9b: {  	s4 =	sld [smem:$0x3FFD];
	_ =	sdelay $0x3  }
0x9c: {  	_ =	strace s4  }
0x9d: {  	_ =	strace $0x8FFFFFFF  }
0x9e: {  	s19 =	sld [smem:$0x3FDB];
	_ =	sdelay $0x1  }
0x9f: {  	s5 =	simm.s32 $_scs_section_size  }
0xa0: {  	s6 =	simm.s32 $_size__tile_overlayer_lowered;
	s7 =	simm.s32 $_tile_overlayer_lowered  }
0xa1: {  	s22 =	simm.s32 $0x1BFF;
	s21 =	sshll.u32 s7, $0x1;
	s4 =	sadd.s32 s5, s19  }
0xa2: {  	s8 =	simm.s32 $0x0;
	s20 =	sshll.u32 s6, $0x1;
	s6 =	sadd.s32 s21, s4  }
0xa3: {  	[timem:s8], [sflag:s22] =	dma.local [hbm:s6], s20  }
0xa4: {  	_ =	swait.ge [sflag:s22], s20  }
0xa5: {  	s5 =	ssub.s32 $0x0, s20;
	[sflag:s22] =	ssyncset.done $0x0  }
0xa6: {  	[sflag:s22] =	ssyncadd.s32 s5;
	_ =	sdelay $0x1  }
0xa7: {  	s23 =	simm.s32 $0x1B8B  }
0xa8: {  	_ =	swait.ge [sflag:s23], $0x1  }
0xa9: {  	[sflag:s23] =	ssyncset.done $0x0  }
0xaa: {  	s25 =	simm.s32 $0x1B8E;
	s24 =	sld [smem:$0x3FFE];
	[sflag:s23] =	ssyncadd.s32 $0xFFFFFFFF  }
0xab: {  	s26 =	simm.s32 $execute0_lowered;
	[smem:$0x3FD2] =	sst s25  }
0xac: {  	s6 =	sshll.u32 s26, $0x1;
	_ =	strace $0x80000046;
	[dreg:$0x1] =	wrdreg $0xFFFFFFFF  }
0xad: {  	s28 =	simm.s32 $_size_execute0_lowered;
	s4 =	sadd.s32 s4, s6;
	[dreg:$0x0] =	wrdreg $0x0  }
0xae: {  	s6 =	sshll.u32 s28, $0x1;
	[dreg:$0x2] =	wrdreg s4  }
0xaf: {  	[dreg:$0x3] =	wrdreg s6  }
0xb0: {  	[dreg:$0x4] =	wrdreg $0xC0  }
0xb1: {  	_ =	task [dreg:s8], $0x5FFFF  }
0xb2: {  	[dreg:$0x1] =	wrdreg $0xFFFFFFFF  }
0xb3: {  	[dreg:$0x0] =	wrdreg $0x60  }
0xb4: {  	[dreg:$0x2] =	wrdreg s16  }
0xb5: {  	[dreg:$0x3] =	wrdreg s24  }
0xb6: {  	[dreg:$0x4] =	wrdreg s17  }
0xb7: {  	[dreg:$0x5] =	wrdreg $0x91000  }
0xb8: {  	[dreg:$0x6] =	wrdreg $0x1D1000  }
0xb9: {  	[dreg:$0x7] =	wrdreg $0x9  }
0xba: {  	_ =	task.clear_ibuf [dreg:s8], $0x8FFFF;
	_ =	strace $0x90000046  }
0xbb: {  	s29 =	simm.s32 $0x9;
	_ =	strace $0x80000048  }
0xbc: {  	_ =	swait.ge [sflag:s29], $0x1  }
0xbd: {  	[sflag:s29] =	ssyncadd.s32 $0xFFFFFFFF  }
0xbe: {  	_ =	strace $0x90000048  }
0xbf: {  	_ =	sfence  }
0xc0: {  	s30 =	sld [smem:$0x0];
	_ =	sdelay $0x2  }
0xc1: {  	s31 =	sshll.u32 s1, $0xD;
	s1 =	sshrl.u32 s1, $0x2  }
0xc2: {  	s3 =	sand.u32 $0x4000, s31;
	s1 =	sadd.s32 s1, s30  }
0xc3: {  	s0 =	sor.u32 s3, s0;
	s1 =	sshll.u32 s1, $0x11  }
0xc4: {  	s0 =	sor.u32 s1, s0  }
0xc5: {  	s0 =	sadd.s32 $0x8F2B, s0  }
0xc6: {  	[sflag:s0] =	ssyncadd.remote.s32 $0x1  }
0xc7: {  	_ =	sfence.sel $0xFFFF  }
0xc8: {  	[dreg:$0x0] =	wrdreg $0xFFFFFFFF;
	(pc) =	sbr.abs _section_cstart, $3  }
0xc9: {  	[dreg:$0x1] =	wrdreg $0xFFFFFFFF  }
0xca: {  	_ =	task.clear_ibuf [dreg:s8], $0x2FFFF;
	_ =	strace $0x9FFFFFFF  }
0xcb: {  	(tm) =	ssettm $0x7FFFFFFF  }
tec
execute0_lowered:
.L_overlay_start_1:
0x0: {  	(tag) =	ssettag $0x1  }
0x1: {  	s0 =	rddreg [dreg:$0x1]  }
0x2: {  	s13 =	rddreg [dreg:$0x3]  }
0x3: {  	s14 =	rddreg [dreg:$0x4]  }
0x4: {  	s6 =	simm.s32 $0x0;
	s1 =	srdreg.scid;
	s15 =	stileid.u32;
	v0 =	vimm.s32 $0xEFCDAB89  }
0x5: {  	v1 =	vimm.s32 $0x67452301;
	v2 =	vimm.s32 $0xDCFE98BA;
	s28 =	simm.s32 $0x2;
	s29 =	simm.s32 $0x3;
	s30 =	simm.s32 $0x5500  }
0x6: {  	v3 =	vimm.s32 $0x54761032;
	s31 =	simm.s32 $0x400;
	[smem:$0x7FF] =	sst s6;
	s3 =	smul.u32 $0x14000, s15  }
0x7: {  	v4 =	vimm.s32 $0xBA98FEDC;
	s1 =	sand.u32 $0x1, s1;
	s7 =	sadd.s32 $0x4F8C00, s0;
	s5 =	smul.u32 $0x2800, s15  }
0x8: {  	v5 =	vimm.s32 $0x32107654;
	s8 =	sadd.s32 $0x51FE00, s0;
	s9 =	sadd.s32 $0x16C00, s0;
	s21 =	smul.u32 $0x50000, s15  }
0x9: {  	vm0 =	vcmask $0x300;
	v11 =	vimm.f32 $0.0e+00;
	s10 =	sadd.s32 $0xCE00, s0;
	s11 =	sadd.s32 $0x3000, s0;
	s12 =	smul.u32 $0xA000, s15  }
0xa: {  	vm9 =	vcmask $0x704;
	v0 =	vunpack.c.l.s4.s8 v0;
	v1 =	vunpack.c.l.s4.s8 v1;
	s19 =	sadd.s32 $0x547000, s0;
	s23 =	sshll.u32 s15, $0x6;
	s2 =	smul.u32 $0x140000, s1  }
0xb: {  	vm10 =	vcmask $0xB08;
	v2 =	vunpack.c.l.s4.s8 v2;
	v3 =	vunpack.c.l.s4.s8 v3;
	_ =	strace $0x80000047;
	s4 =	smul.u32 $0x28000, s1;
	[dreg:$0x6] =	wrdreg s19  }
0xc: {  	v4 =	vunpack.c.l.s4.s8 v4;
	s20 =	ssub.s32 $0x2, s1;
	s1 =	sshll.u32 s1, $0x4;
	s19 =	simm.s32 $0x5;
	v0 =	vunpack.c.0.s8.s32 v0;
	v1 =	vunpack.c.0.s8.s32 v1  }
0xd: {  	v5 =	vunpack.c.l.s4.s8 v5;
	v2 =	vunpack.c.0.s8.s32 v2;
	v3 =	vunpack.c.0.s8.s32 v3;
	s22 =	sshrl.u32 s20, $0x1;
	s1 =	sor.u32 s15, s1;
	s12 =	sshrl.u32 s12, $0x2  }
0xe: {  	vm11 =	vcmask $0xF0C;
	vm12 =	vcmask $0x1310;
	s15 =	simm.s32 $0x7D00;
	s2 =	sadd.s32 s3, s2;
	s18 =	sadd.s32 s5, s4;
	v0 =	vcombine.low v1, v0  }
0xf: {  	s4 =	sshrl.u32 s21, $0x2;
	s24 =	sadd.s32 s12, s14;
	s14 =	smul.u32 $0x2710, s1;
	v1 =	vcombine.low v3, v2;
	v2 =	vunpack.c.0.s8.s32 v4;
	v3 =	vunpack.c.0.s8.s32 v5  }
0x10: {  	vm13 =	vcmask $0x1714;
	vm14 =	vcmask $0x1B18;
	vm15 =	vcmask $0x1F1C;
	s21 =	simm.s32 $0x28;
	s2 =	sshrl.u32 s2, $0x3;
	s3 =	sshrl.u32 s18, $0x3  }
0x11: {  	s4 =	sadd.s32 s4, s13;
	v4 =	vimm.s32 $0x76543210;
	s13 =	sor.u32 $0x1C05, s23;
	s2 =	sadd.s32 s2, s0;
	v10 =	vcombine.low v3, v2;
	v3 =	vimm.s32 $0xFEDCBA98  }
0x12: {  	v12 =	vimm.s32 $0x0;
	s0 =	sadd.s32 s3, s0;
	v6 =	vunpack.c.l.s4.s8 v4;
	[dreg:$0x7] =	wrdreg s13;
	s25 =	sadd.s32 $0x553800, s2;
	v5 =	vunpack.c.l.s4.s8 v3  }
0x13: {  	s3 =	ssub.s32 s20, s22;
	v4 =	vsel vm10, $0x3F800000, v11;
	v0 =	vand.u32 $0xF, v0;
	v1 =	vand.u32 $0xF, v1;
	s0 =	sadd.s32 $0x549800, s0;
	[dreg:$0x8] =	wrdreg s25  }
0x14: {  	s5 =	simm.s32 $0x480;
	v2 =	vsel vm0, $0x3F800000, v11;
	s26 =	smax.u32 s3, $0x1;
	[dreg:$0x9] =	wrdreg s0;
	v3 =	vsel vm9, $0x3F800000, v11;
	v7 =	vunpack.c.0.s8.s32 v5  }
0x15: {  	s2 =	sshrl.u32 s4, $0x3;
	s3 =	sshrl.u32 s24, $0x3;
	[dreg:$0xa] =	wrdreg s26;
	v8 =	vunpack.c.0.s8.s32 v6;
	v6 =	vsel vm12, $0x3F800000, v11;
	v10 =	vand.u32 $0xF, v10  }
0x16: {  	s4 =	simm.s32 $0x0;
	s25 =	simm.s32 $0x4100;
	[dreg:$0xb] =	wrdreg s2;
	v5 =	vsel vm11, $0x3F800000, v11;
	v9 =	vand.u32 $0xF, v7;
	v7 =	vsel vm13, $0x3F800000, v11  }
0x17: {  	s26 =	simm.s32 $0x1;
	s0 =	simm.s32 $0x6900;
	[dreg:$0xc] =	wrdreg s3;
	v8 =	vcombine.low v9, v8;
	v9 =	vsel vm14, $0x3F800000, v11;
	v11 =	vsel vm15, $0x3F800000, v11  }
.LBB2_1:
0x18: {  	[dreg:$0xd] =	wrdreg s4  }
0x19: {  	s1 =	rddreg [dreg:$0x6]  }
0x1a: {  	[spmem:s2], [sflag:s13] =	dma.local [hbm:s1], $0x2800  }
0x1b: {  	_ =	swait.ge [sflag:s19], $0x2800  }
0x1c: {  	[sflag:s19] =	ssyncset.done $0x0  }
0x1d: {  	[sflag:s19] =	ssyncadd.s32 $0xFFFFD800  }
0x1e: {  	[spmem:s3], [sflag:s13] =	dma.local [hbm:s1], $0x500  }
0x1f: {  	_ =	swait.ge [sflag:s19], $0x500  }
0x20: {  	[sflag:s19] =	ssyncset.done $0x0  }
0x21: {  	[sflag:s19] =	ssyncadd.s32 $0xFFFFFB00  }
0x22: {  	s16 =	simm.s32 $0x0;
	[bflag:$0x0] =	sbarrier.arrive $0xFFFF  }
.LBB2_2:
0x23: {  	s1 =	smul.u32 $0xCD, s16;
	_ =	sdelay $0x1  }
0x24: {  	s1 =	sshrl.u32 s1, $0xB  }
0x25: {  	s1 =	sand.u32 $0x1F, s1  }
0x26: {  	s1 =	smul.u32 $0xA, s1;
	_ =	sdelay $0x1  }
0x27: {  	s2 =	smul.u32 $0x28, s16;
	s1 =	ssub.s32 s16, s1  }
0x28: {  	s1 =	sand.u32 $0xFF, s1  }
0x29: {  	s2 =	sadd.s32 s14, s2;
	p0 =	sne.s32 s1, $0x0  }
0x2a: {  	s3 =	sshrl.u32 @!p0 s2, $0x3  }
0x2b: {  	s12 =	simm.s32 @!p0 $0x0;
	s4 =	sadd.s32 @!p0 s10, s3  }
0x2c: {  	[tilespmem:s12], [sflag:$0x5] =	stream.linear.gather @!p0 [hbm4b:s4+s12], $0x190, $0x38;
	[tilespmem:$0x1F900] =	vst v63  }
0x2d: {  	s4 =	simm.s32 @!p0 $0x5  }
0x2e: {  	_ =	swait.ge @!p0 [sflag:s4], $0x190  }
0x2f: {  	[sflag:s4] =	ssyncset.done @!p0 $0x0  }
0x30: {  	s13 =	simm.s32 @!p0 $0x200;
	s3 =	sadd.s32 @!p0 s11, s3;
	[sflag:s4] =	ssyncadd.s32 @!p0 $0xFFFFFE70  }
0x31: {  	[tilespmem:s13], [sflag:$0x5] =	stream.linear.gather @!p0 [hbm4b:s3+s12], $0x190, $0x38;
	[tilespmem:$0x1F900] =	vst v63  }
0x32: {  	_ =	swait.ge @!p0 [sflag:s4], $0x190  }
0x33: {  	[sflag:s4] =	ssyncset.done @!p0 $0x0  }
0x34: {  	s1 =	smul.u32 $0x28, s1;
	[sflag:s4] =	ssyncadd.s32 @!p0 $0xFFFFFE70  }
0x35: {  	s18 =	simm.s32 $0x500;
	s17 =	rddreg [dreg:$0x0]  }
0x36: {  	[tilespmem:s18], [sflag:$0x1] =	stream.indirect.gather [hbm4b:s17+s21], $0x80, s1, s21, $0xb8;
	[tilespmem:$0x1F900] =	vst v63  }
0x37: {  	s22 =	simm.s32 $0x1900;
	s20 =	sadd.s32 $0x200, s1  }
0x38: {  	[tilespmem:s22], [sflag:$0x2] =	stream.indirect.gather [hbm4b:s7+s21], $0x80, s20, s21, $0xb8;
	[tilespmem:$0x1F900] =	vst v63  }
0x39: {  	s23 =	simm.s32 $0x2D00;
	s12 =	sshll.u32 s2, $0x4  }
0x3a: {  	[tilespmem:s23], [sflag:$0x3] =	stream.indirect.gather [hbm4b:s8+s21], $0x80, s20, s21, $0xb8;
	[tilespmem:$0x1F900] =	vst v63  }
0x3b: {  	s2 =	sadd.s32 s9, s12  }
0x3c: {  	[tilespmem:s25], [sflag:$0x5] =	stream.linear.gather [hbm4b:s2+s6], $0x1400, $0x38;
	[tilespmem:$0x1F900] =	vst v63  }
0x3d: {  	_ =	swait.ge [sflag:s19], $0x1400  }
0x3e: {  	p0 =	seq.s32 s16, $0x0;
	[sflag:s19] =	ssyncset.done $0x0  }
0x3f: {  	s2 =	simm.s32 @!p0 $0x4;
	[sflag:s19] =	ssyncadd.s32 $0xFFFFEC00  }
0x40: {  	_ =	swait.ge @!p0 [sflag:s2], $0x1400  }
0x41: {  	[sflag:s2] =	ssyncset.done @!p0 $0x0  }
0x42: {  	[sflag:s2] =	ssyncadd.s32 @!p0 $0xFFFFEC00  }
0x43: {  	v13 =	vld [tilespmem:s1+$0x0];
	_ =	sdelay $0x4  }
0x44: {  	[tilespmem:$0x400] =	vst v13;
	v13 =	vshrl.u32 v13, $0x3  }
0x45: {  	[tilespmem:$0x480] =	vst v13  }
0x46: {  	v13 =	vld [tilespmem:s1+$0x10];
	_ =	sdelay $0x4  }
0x47: {  	[tilespmem:$0x410] =	vst v13;
	v13 =	vshrl.u32 v13, $0x3  }
0x48: {  	[tilespmem:$0x490] =	vst v13  }
0x49: {  	v13 =	vld [tilespmem:s1+$0x18];
	_ =	sdelay $0x4  }
0x4a: {  	[tilespmem:$0x418] =	vst v13;
	v13 =	vshrl.u32 v13, $0x3  }
0x4b: {  	[tilespmem:$0x498] =	vst v13  }
0x4c: {  	_ =	swait.ge [sflag:s26], $0x1400  }
0x4d: {  	[sflag:s26] =	ssyncset.done $0x0  }
0x4e: {  	[sflag:s26] =	ssyncadd.s32 $0xFFFFEC00  }
0x4f: {  	_ =	swait.ge [sflag:s28], $0x1400  }
0x50: {  	[sflag:s28] =	ssyncset.done $0x0  }
0x51: {  	[sflag:s28] =	ssyncadd.s32 $0xFFFFEC00  }
0x52: {  	_ =	swait.ge [sflag:s29], $0x1400  }
0x53: {  	[sflag:s29] =	ssyncset.done $0x0  }
0x54: {  	s18 =	simm.s32 $0x0;
	[sflag:s29] =	ssyncadd.s32 $0xFFFFEC00  }
0x55: {  	v13 =	vld [tilespmem:s18+$0x1950]  }
0x56: {  	v14 =	vld [tilespmem:s18+$0x550];
	_ =	sdelay $0x1  }
0x57: {  	v15 =	vld [tilespmem:s18+$0x4150];
	_ =	sdelay $0x2  }
0x58: {  	v13 =	vmul.f32 v13, v14;
	_ =	sdelay $0x1  }
0x59: {  	v13 =	vmul.f32 v15, v13;
	_ =	sdelay $0x1  }
0x5a: {  	v14 =	vmul.f32 $2.500000000e-01, v13;
	_ =	sdelay $0x1  }
0x5b: {  	v16 =	vld [tilespmem:s18+$0x560];
	v13 =	vperm.xlane v14, v0  }
0x5c: {  	v15 =	vld [tilespmem:s18+$0x1960]  }
0x5d: {  	v13 =	vadd.f32 v13, v14  }
0x5e: {  	v17 =	vld [tilespmem:s18+$0x4160]  }
0x5f: {  	v20 =	vld [tilespmem:s18+$0x1970];
	v18 =	vperm.xlane v13, v1  }
0x60: {  	v22 =	vld [tilespmem:s18+$0x4140]  }
0x61: {  	v23 =	vld [tilespmem:s18+$0x1910];
	v15 =	vmul.f32 v15, v16;
	v13 =	vadd.f32 v18, v13  }
0x62: {  	v16 =	vld [tilespmem:s18+$0x1940]  }
0x63: {  	v15 =	vmul.f32 v17, v15;
	v17 =	vld [tilespmem:s18+$0x540];
	v21 =	vperm.xlane v13, v10  }
0x64: {  	v25 =	vld [tilespmem:s18+$0x510]  }
0x65: {  	v15 =	vmul.f32 $2.500000000e-01, v15;
	v18 =	vld [tilespmem:s18+$0x570];
	v13 =	vadd.f32 v21, v13  }
0x66: {  	v19 =	vld [tilespmem:s18+$0x4170]  }
0x67: {  	v27 =	vld [tilespmem:s18+$0x530];
	v26 =	vperm.xlane v15, v0;
	v24 =	vperm.xlane v13, v8  }
0x68: {  	v16 =	vmul.f32 v16, v17;
	v21 =	vld [tilespmem:s18+$0x1930]  }
0x69: {  	v23 =	vmul.f32 v23, v25;
	v17 =	vadd.f32 v26, v15;
	v13 =	vadd.f32 v24, v13;
	v24 =	vld [tilespmem:s18+$0x4110]  }
0x6a: {  	v26 =	vld [tilespmem:s18+$0x4130];
	v16 =	vmul.f32 v22, v16;
	v18 =	vmul.f32 v20, v18  }
0x6b: {  	v20 =	vld [tilespmem:s18+$0x1900];
	v22 =	vperm.xlane v17, v1;
	v13 =	vmul.f32 $1.442695020e+00, v13  }
0x6c: {  	v16 =	vmul.f32 $2.500000000e-01, v16;
	v18 =	vmul.f32 v19, v18;
	v19 =	vld [tilespmem:s18+$0x500]  }
0x6d: {  	v17 =	vadd.f32 v22, v17;
	v21 =	vmul.f32 v21, v27;
	(erf) = vpow2.f32 v13  }
0x6e: {  	v25 =	vld [tilespmem:s18+$0x4100];
	v18 =	vmul.f32 $2.500000000e-01, v18;
	v22 =	vmul.f32 v24, v23  }
0x6f: {  	v28 =	vld [tilespmem:s18+$0x520];
	v21 =	vmul.f32 v26, v21;
	v26 =	vperm.xlane v17, v10  }
0x70: {  	v13 =	vld [tilespmem:s18+$0x1920];
	v24 =	vperm.xlane v16, v0;
	v22 =	vmul.f32 $2.500000000e-01, v22  }
0x71: {  	v27 =	vld [tilespmem:s18+$0x2D50];
	v19 =	vmul.f32 v20, v19;
	v21 =	vmul.f32 $2.500000000e-01, v21  }
0x72: {  	v23 =	vld [tilespmem:s18+$0x4120];
	v17 =	vadd.f32 v26, v17;
	v24 =	vadd.f32 v24, v16;
	v29 =	vperm.xlane v22, v0  }
0x73: {  	v19 =	vmul.f32 v25, v19;
	v31 =	vperm.xlane v21, v0  }
0x74: {  	v32 =	vperm.xlane v17, v8;
	v20 =	vperm.xlane v24, v1;
	v29 =	vadd.f32 v29, v22  }
0x75: {  	v19 =	vmul.f32 $2.500000000e-01, v19;
	v13 =	vmul.f32 v13, v28  }
0x76: {  	v17 =	vadd.f32 v32, v17;
	v20 =	vadd.f32 v20, v24;
	v25 =	vpop (erf);
	v28 =	vperm.xlane v29, v1  }
0x77: {  	s20 =	simm.s32 $0x80;
	v31 =	vadd.f32 v31, v21;
	v13 =	vmul.f32 v23, v13;
	v27 =	vmul.f32 v25, v27  }
0x78: {  	v52 =	vld [tilespmem:s20+$0x4150];
	v17 =	vmul.f32 $1.442695020e+00, v17;
	v34 =	vperm.xlane v20, v10;
	v28 =	vadd.f32 v28, v29  }
0x79: {  	v23 =	vld [tilespmem:s20+$0x4160];
	v13 =	vmul.f32 $2.500000000e-01, v13;
	[tilespmem:s18+$0x6950] =	vst v27;
	v27 =	vperm.xlane v31, v1  }
0x7a: {  	(erf) = vpow2.f32 v17;
	v17 =	vadd.f32 v34, v20;
	v35 =	vperm.xlane v28, v10  }
0x7b: {  	v53 =	vperm.xlane v18, v0;
	v29 =	vld [tilespmem:s20+$0x4170];
	[tilespmem:s18+$0x5500] =	vst v19;
	v20 =	vadd.f32 v27, v31;
	v27 =	vperm.xlane v13, v0  }
0x7c: {  	v31 =	vld [tilespmem:s20+$0x1970];
	[tilespmem:s18+$0x5510] =	vst v22;
	v22 =	vperm.xlane v17, v8;
	v28 =	vadd.f32 v35, v28  }
0x7d: {  	v34 =	vadd.f32 v53, v18;
	v54 =	vperm.xlane v20, v10;
	v27 =	vadd.f32 v27, v13  }
0x7e: {  	v37 =	vperm.xlane v19, v0;
	v36 =	vld [tilespmem:s20+$0x4130];
	[tilespmem:s18+$0x5520] =	vst v13;
	v13 =	vadd.f32 v22, v17;
	v38 =	vperm.xlane v28, v8  }
0x7f: {  	v55 =	vperm.xlane v34, v1;
	v17 =	vadd.f32 v54, v20;
	v20 =	vperm.xlane v27, v1  }
0x80: {  	v24 =	vld [tilespmem:s18+$0x2D60];
	v19 =	vadd.f32 v37, v19;
	v13 =	vmul.f32 $1.442695020e+00, v13;
	v28 =	vadd.f32 v38, v28  }
0x81: {  	v22 =	vld [tilespmem:s20+$0x1950];
	[tilespmem:s18+$0x5530] =	vst v21;
	v21 =	vperm.xlane v17, v8;
	v20 =	vadd.f32 v20, v27  }
0x82: {  	v34 =	vadd.f32 v55, v34;
	v56 =	vperm.xlane v19, v1;
	v28 =	vmul.f32 $1.442695020e+00, v28  }
0x83: {  	v27 =	vld [tilespmem:s20+$0x1960];
	[tilespmem:s18+$0x5540] =	vst v16;
	(erf) = vpow2.f32 v13;
	v16 =	vadd.f32 v21, v17;
	v17 =	vperm.xlane v20, v10  }
0x84: {  	v19 =	vadd.f32 v56, v19;
	v13 =	vpop (erf);
	v21 =	vld [tilespmem:s20+$0x570];
	[tilespmem:s18+$0x5550] =	vst v14;
	v14 =	vperm.xlane v34, v10;
	(erf) = vpow2.f32 v28  }
0x85: {  	v24 =	vmul.f32 v13, v24;
	v16 =	vmul.f32 $1.442695020e+00, v16;
	v17 =	vadd.f32 v17, v20  }
0x86: {  	v14 =	vadd.f32 v14, v34;
	v20 =	vperm.xlane v19, v10  }
0x87: {  	v28 =	vld [tilespmem:s20+$0x560];
	[tilespmem:s18+$0x6960] =	vst v24;
	(erf) = vpow2.f32 v16;
	v16 =	vperm.xlane v17, v8  }
0x88: {  	v24 =	vld [tilespmem:s20+$0x550];
	[tilespmem:s18+$0x5560] =	vst v15;
	v15 =	vperm.xlane v14, v8  }
0x89: {  	v30 =	vld [tilespmem:s18+$0x2D10];
	v57 =	vadd.f32 v20, v19;
	v16 =	vadd.f32 v16, v17  }
0x8a: {  	v33 =	vld [tilespmem:s18+$0x2D40];
	v21 =	vmul.f32 v31, v21;
	v15 =	vadd.f32 v15, v14;
	v14 =	vmul.f32 v7, v25  }
0x8b: {  	v26 =	vld [tilespmem:s18+$0x2D30];
	v25 =	vperm.xlane v57, v8;
	v17 =	vmul.f32 $1.442695020e+00, v16  }
0x8c: {  	v19 =	vld [tilespmem:s20+$0x1940];
	[tilespmem:s18+$0x5570] =	vst v18;
	v31 =	vmul.f32 $1.442695020e+00, v15;
	v15 =	vmul.f32 v27, v28  }
0x8d: {  	v21 =	vmul.f32 v29, v21;
	v28 =	vld [tilespmem:s20+$0x540];
	v22 =	vmul.f32 v22, v24;
	v16 =	vpop (erf)  }
0x8e: {  	v18 =	vld [tilespmem:s20+$0x4140];
	v25 =	vadd.f32 v25, v57;
	(erf) = vpow2.f32 v17;
	v17 =	vmul.f32 v23, v15;
	v20 =	vpop (erf)  }
0x8f: {  	v59 =	vld [tilespmem:s20+$0x1930];
	v15 =	vmul.f32 $2.500000000e-01, v21;
	v27 =	vmul.f32 v20, v30  }
0x90: {  	v25 =	vmul.f32 $1.442695020e+00, v25;
	v29 =	vmul.f32 v16, v33;
	v30 =	vld [tilespmem:s20+$0x530]  }
0x91: {  	v58 =	vld [tilespmem:s20+$0x1900];
	v17 =	vmul.f32 $2.500000000e-01, v17;
	v23 =	vperm.xlane v15, v0;
	v38 =	vpop (erf);
	[tilespmem:s18+$0x6910] =	vst v27  }
0x92: {  	v19 =	vmul.f32 v19, v28;
	v21 =	vmul.f32 v38, v26;
	v26 =	vld [tilespmem:s20+$0x1910]  }
0x93: {  	(erf) = vpow2.f32 v31;
	v28 =	vperm.xlane v17, v0;
	v31 =	vadd.f32 v23, v15;
	v27 =	vld [tilespmem:s20+$0x520];
	[tilespmem:s18+$0x6940] =	vst v29  }
0x94: {  	v22 =	vmul.f32 v52, v22;
	v18 =	vmul.f32 v18, v19;
	v24 =	vld [tilespmem:s20+$0x1920]  }
0x95: {  	v28 =	vadd.f32 v28, v17;
	v61 =	vld [tilespmem:s20+$0x500];
	v62 =	vperm.xlane v31, v1;
	v29 =	vmul.f32 v59, v30  }
0x96: {  	v30 =	vld [tilespmem:s20+$0x510];
	v19 =	vmul.f32 $2.500000000e-01, v18;
	v18 =	vmul.f32 $2.500000000e-01, v22  }
0x97: {  	v63 =	vperm.xlane v28, v1;
	v31 =	vadd.f32 v62, v31;
	v29 =	vmul.f32 v36, v29  }
0x98: {  	[tilespmem:s18+$0x6930] =	vst v21;
	v40 =	vperm.xlane v19, v0;
	v41 =	vperm.xlane v18, v0  }
0x99: {  	v50 =	vperm.xlane v31, v10;
	v22 =	vmul.f32 $2.500000000e-01, v29;
	v29 =	vld [tilespmem:s20+$0x4100]  }
0x9a: {  	v39 =	vld [tilespmem:s20+$0x4110];
	v40 =	vadd.f32 v40, v19;
	v41 =	vadd.f32 v41, v18;
	v24 =	vmul.f32 v24, v27  }
0x9b: {  	v37 =	vadd.f32 v63, v28;
	v27 =	vmul.f32 v58, v61;
	v26 =	vmul.f32 v26, v30  }
0x9c: {  	v23 =	vpop (erf);
	v30 =	vld [tilespmem:s20+$0x4120];
	v43 =	vperm.xlane v40, v1;
	v44 =	vperm.xlane v41, v1  }
0x9d: {  	v21 =	vpop (erf);
	v52 =	vperm.xlane v37, v10;
	(erf) = vpow2.f32 v25  }
0x9e: {  	v46 =	vadd.f32 v44, v41;
	v27 =	vmul.f32 v29, v27;
	v29 =	vadd.f32 v43, v40  }
0x9f: {  	v45 =	vperm.xlane v22, v0;
	v26 =	vmul.f32 v39, v26  }
0xa0: {  	v34 =	vadd.f32 v52, v37;
	v49 =	vperm.xlane v46, v10;
	v48 =	vperm.xlane v29, v10  }
0xa1: {  	v30 =	vmul.f32 v30, v24;
	v24 =	vmul.f32 $2.500000000e-01, v26  }
0xa2: {  	v60 =	vld [tilespmem:s18+$0x2D70];
	v37 =	vperm.xlane v34, v8;
	v28 =	vadd.f32 v48, v29;
	v29 =	vadd.f32 v49, v46  }
0xa3: {  	v47 =	vadd.f32 v45, v22;
	v26 =	vmul.f32 $2.500000000e-01, v27;
	v51 =	vperm.xlane v24, v0  }
0xa4: {  	v53 =	vperm.xlane v28, v8;
	v54 =	vperm.xlane v29, v8  }
0xa5: {  	v27 =	vperm.xlane v47, v1;
	v56 =	vperm.xlane v26, v0;
	v55 =	vadd.f32 v51, v24  }
0xa6: {  	v35 =	vadd.f32 v53, v28;
	v28 =	vmul.f32 $2.500000000e-01, v30;
	v29 =	vadd.f32 v54, v29;
	v30 =	vld [tilespmem:s18+$0x2D20]  }
0xa7: {  	v32 =	vmul.f32 v21, v60;
	v34 =	vadd.f32 v37, v34;
	v27 =	vadd.f32 v27, v47  }
0xa8: {  	v25 =	vadd.f32 v56, v26;
	v58 =	vperm.xlane v55, v1;
	v29 =	vmul.f32 $1.442695020e+00, v29  }
0xa9: {  	v62 =	vmul.f32 $1.442695020e+00, v34;
	v57 =	vperm.xlane v27, v10  }
0xaa: {  	v60 =	vperm.xlane v25, v1;
	v61 =	vadd.f32 v58, v55;
	(erf) = vpow2.f32 v29  }
0xab: {  	v31 =	vadd.f32 v50, v31;
	v59 =	vperm.xlane v28, v0;
	v30 =	vmul.f32 v23, v30  }
0xac: {  	v42 =	vld [tilespmem:s18+$0x2D00];
	[tilespmem:s18+$0x6970] =	vst v32;
	v34 =	vadd.f32 v57, v27;
	v29 =	vadd.f32 v60, v25;
	v25 =	vperm.xlane v61, v10  }
0xad: {  	v32 =	vmul.f32 v5, v38;
	v33 =	vmul.f32 $1.442695020e+00, v35;
	v39 =	vadd.f32 v59, v28;
	[tilespmem:s18+$0x6920] =	vst v30  }
0xae: {  	v38 =	vperm.xlane v34, v8;
	v27 =	vperm.xlane v29, v10;
	v37 =	vadd.f32 v25, v61;
	v35 =	vld [tilespmem:s20+$0x2D50]  }
0xaf: {  	s17 =	simm.s32 $0x0;
	v63 =	vperm.xlane v39, v1;
	v30 =	vperm.xlane v31, v8;
	v25 =	vld [tilespmem:s20+$0x2D30]  }
0xb0: {  	s3 =	simm.s32 $0x400;
	s24 =	sand.u32 $0xFFFFFFF0, s17;
	v41 =	vpop (erf);
	(erf) = vpow2.f32 v62;
	v27 =	vadd.f32 v27, v29;
	v29 =	vld [tilespmem:s20+$0x2D10];
	v40 =	vperm.xlane v37, v8  }
0xb1: {  	s13 =	simm.s32 $0x1;
	s2 =	sand.u32 $0x30, s17;
	s1 =	smin.u32 s24, $0x18;
	v36 =	vadd.f32 v63, v39;
	v39 =	vmul.f32 v41, v42;
	v31 =	vadd.f32 v30, v31;
	v30 =	vld [tilespmem:s20+$0x2D40]  }
.LBB2_3:
0xb2: {  	s22 =	smov.u32 s3  }
0xb3: {  	s4 =	sshra.s32 s3, $0x2;
	s23 =	sand.u32 $0xFFFFFFF0, s13;
	v38 =	vadd.f32 v38, v34;
	v42 =	vld [tilespmem:s20+$0x2D60];
	v43 =	vpop (erf);
	v41 =	vmul.f32 v2, v41;
	v20 =	vmul.f32 v3, v20;
	s22 =	sadd.s32 $0x200, s3  }
0xb4: {  	s24 =	smin.u32 s2, $0x18;
	s2 =	sand.u32 $0x30, s13;
	s23 =	smin.u32 s23, $0x18;
	v37 =	vadd.f32 v40, v37;
	v35 =	vmul.f32 v43, v35;
	v40 =	vmul.f32 v7, v43;
	v34 =	vld [tilespmem:s4+$0x4150];
	[tilespmem:s18+$0x6900] =	vst v39  }
0xb5: {  	p0 =	sne.s32 s3, $0x4E00;
	v39 =	vperm.xlane v36, v10;
	v38 =	vmul.f32 $1.442695020e+00, v38;
	v41 =	vadd.f32 $0.0e+00, v41;
	v43 =	vld [tilespmem:s24+$0x400]  }
0xb6: {  	v23 =	vmul.f32 v4, v23;
	v37 =	vmul.f32 $1.442695020e+00, v37;
	v44 =	vld [tilespmem:s4+$0x4160];
	[tilespmem:s20+$0x6950] =	vst v35  }
0xb7: {  	s3 =	ssub.s32 s17, s1;
	s17 =	smov.u32 s13;
	s1 =	smov.u32 s23;
	v20 =	vadd.f32 v20, v41;
	v35 =	vld [tilespmem:s4+$0x4170];
	[tilespmem:s20+$0x5500] =	vst v26;
	v26 =	vadd.f32 v39, v36;
	(erf) = vpow2.f32 v33  }
0xb8: {  	v36 =	vmov s3;
	v33 =	vld [tilespmem:s4+$0x1970];
	[tilespmem:s20+$0x5510] =	vst v24;
	(erf) = vpow2.f32 v37;
	v24 =	vmul.f32 v9, v13  }
0xb9: {  	v20 =	vadd.f32 v23, v20;
	v37 =	vld [tilespmem:s4+$0x4130];
	[tilespmem:s20+$0x5520] =	vst v28;
	v28 =	vperm.xlane v26, v8;
	(erf) = vpow2.f32 v38;
	v13 =	vpop (erf)  }
0xba: {  	v16 =	vmul.f32 v6, v16;
	v23 =	vld [tilespmem:s4+$0x1950];
	[tilespmem:s20+$0x5530] =	vst v22;
	v22 =	vperm.xlane v43, v36  }
0xbb: {  	v20 =	vadd.f32 v32, v20;
	v36 =	vld [tilespmem:s4+$0x1960];
	v26 =	vadd.f32 v28, v26;
	[tilespmem:s20+$0x5540] =	vst v19;
	v19 =	vmul.f32 v13, v42  }
0xbc: {  	v32 =	vperm.xlane v27, v8;
	v28 =	vld [tilespmem:s4+$0x570];
	[tilespmem:s20+$0x5550] =	vst v18;
	v18 =	vmul.f32 v11, v21;
	v21 =	vand.u32 $0x7, v22  }
0xbd: {  	v20 =	vadd.f32 v16, v20;
	v22 =	vld [tilespmem:s4+$0x560];
	[tilespmem:s20+$0x6960] =	vst v19;
	vm7 =	veq.s32 v21, $0x0;
	vm6 =	veq.s32 v21, $0x1  }
0xbe: {  	vm1 =	veq.s32 v21, $0x3;
	vm5 =	veq.s32 v21, $0x4;
	vm0 =	veq.s32 v21, $0x6;
	v19 =	vld [tilespmem:s4+$0x550];
	[tilespmem:s20+$0x5560] =	vst v17  }
0xbf: {  	vm3 =	veq.s32 v21, $0x5;
	vm2 =	veq.s32 v21, $0x7;
	v38 =	vld [tilespmem:s4+$0x1940];
	[tilespmem:s20+$0x5570] =	vst v15;
	v15 =	vadd.f32 v14, v20;
	v14 =	vmovc v40  }
0xc0: {  	vm4 =	veq.s32 v21, $0x2;
	v17 =	vmul.f32 $1.442695020e+00, v26;
	v26 =	vmul.f32 $1.442695020e+00, v31;
	v39 =	vld [tilespmem:s4+$0x4140];
	v16 =	vpop (erf)  }
0xc1: {  	v31 =	vld [tilespmem:s4+$0x1900];
	v21 =	vmul.f32 v33, v28;
	v28 =	vmul.f32 v16, v30;
	v20 =	vpop (erf);
	v15 =	vadd.f32 v24, v15  }
0xc2: {  	v30 =	vadd.f32 v32, v27;
	v24 =	vld [tilespmem:s4+$0x1930];
	v22 =	vmul.f32 v36, v22;
	v29 =	vmul.f32 v20, v29;
	v27 =	vpop (erf)  }
0xc3: {  	v32 =	vld [tilespmem:s4+$0x540];
	v21 =	vmul.f32 v35, v21;
	(erf) = vpow2.f32 v17;
	v33 =	vadd.f32 v18, v15  }
0xc4: {  	v18 =	vld [tilespmem:s4+$0x530];
	v17 =	vmul.f32 v44, v22;
	[tilespmem:s20+$0x6910] =	vst v29;
	v22 =	vmul.f32 v27, v25  }
0xc5: {  	v25 =	vld [tilespmem:s4+$0x1910];
	v15 =	vmul.f32 $2.500000000e-01, v21;
	(erf) = vpow2.f32 v26;
	v21 =	vsel vm7, $0x3F800000, v12  }
0xc6: {  	v26 =	vld [tilespmem:s4+$0x520];
	v17 =	vmul.f32 $2.500000000e-01, v17;
	[tilespmem:s20+$0x6940] =	vst v28;
	v21 =	vmul.f32 v21, v33;
	v28 =	vsel vm6, $0x3F800000, v12  }
0xc7: {  	v29 =	vld [tilespmem:s4+$0x1920];
	v35 =	vperm.xlane v15, v0;
	v28 =	vmul.f32 v28, v33  }
0xc8: {  	v36 =	vld [tilespmem:s4+$0x510];
	v32 =	vmul.f32 v38, v32;
	v38 =	vperm.xlane v17, v0;
	[tilespmem:s18+$0x7D00] =	vst v21;
	v21 =	vsel vm5, $0x3F800000, v12  }
0xc9: {  	v19 =	vmul.f32 v23, v19;
	v40 =	vld [tilespmem:s4+$0x500];
	v18 =	vmul.f32 v24, v18;
	v24 =	vadd.f32 v35, v15;
	[tilespmem:s18+$0x7D10] =	vst v28  }
0xca: {  	v21 =	vmul.f32 v21, v33;
	v39 =	vmul.f32 v39, v32;
	v28 =	vadd.f32 v38, v17;
	v32 =	vld [tilespmem:s20+$0x2D70]  }
0xcb: {  	v35 =	vmul.f32 v37, v18;
	v18 =	vmul.f32 v34, v19;
	v34 =	vsel vm4, $0x3F800000, v12  }
0xcc: {  	v38 =	vsel vm3, $0x3F800000, v12;
	v37 =	vperm.xlane v24, v1;
	v19 =	vmul.f32 $2.500000000e-01, v39;
	[tilespmem:s20+$0x6930] =	vst v22;
	v23 =	vpop (erf)  }
0xcd: {  	v42 =	vsel vm2, $0x3F800000, v12;
	v41 =	vperm.xlane v28, v1;
	v39 =	vld [tilespmem:s4+$0x4120];
	v18 =	vmul.f32 $2.500000000e-01, v18;
	[tilespmem:s18+$0x7D40] =	vst v21  }
0xce: {  	v44 =	vsel vm1, $0x3F800000, v12;
	v22 =	vmul.f32 $2.500000000e-01, v35;
	v43 =	vld [tilespmem:s4+$0x4110];
	v35 =	vperm.xlane v19, v0;
	v21 =	vpop (erf)  }
0xcf: {  	v28 =	vadd.f32 v41, v28;
	v45 =	vld [tilespmem:s4+$0x4100];
	v46 =	vperm.xlane v18, v0;
	v32 =	vmul.f32 v21, v32  }
0xd0: {  	v44 =	vmul.f32 v44, v33;
	v41 =	vperm.xlane v22, v0;
	v35 =	vadd.f32 v35, v19  }
0xd1: {  	v26 =	vmul.f32 v29, v26;
	v25 =	vmul.f32 v25, v36;
	v29 =	vadd.f32 v46, v18;
	[tilespmem:s20+$0x6970] =	vst v32  }
0xd2: {  	v31 =	vmul.f32 v31, v40;
	v32 =	vadd.f32 v41, v22;
	v36 =	vperm.xlane v35, v1  }
0xd3: {  	v37 =	vadd.f32 v37, v24;
	v25 =	vmul.f32 v43, v25;
	v40 =	vperm.xlane v29, v1  }
0xd4: {  	v39 =	vmul.f32 v39, v26;
	v31 =	vmul.f32 v45, v31;
	v35 =	vadd.f32 v36, v35  }
0xd5: {  	v24 =	vmul.f32 $2.500000000e-01, v25;
	v25 =	vadd.f32 v40, v29;
	v29 =	vperm.xlane v37, v10  }
0xd6: {  	v36 =	vsel vm0, $0x3F800000, v12;
	v26 =	vmul.f32 $2.500000000e-01, v31;
	v31 =	vperm.xlane v35, v10  }
0xd7: {  	v40 =	vperm.xlane v24, v0;
	v41 =	vperm.xlane v25, v10;
	v43 =	vadd.f32 v29, v37  }
0xd8: {  	v29 =	vperm.xlane v32, v1;
	v31 =	vadd.f32 v31, v35;
	v35 =	vmul.f32 v42, v33  }
0xd9: {  	v36 =	vmul.f32 v36, v33;
	v37 =	vperm.xlane v28, v10;
	v25 =	vadd.f32 v41, v25  }
0xda: {  	v38 =	vmul.f32 v38, v33;
	v29 =	vadd.f32 v29, v32;
	v32 =	vperm.xlane v31, v8;
	[tilespmem:s18+$0x7D70] =	vst v35  }
0xdb: {  	v37 =	vadd.f32 v37, v28;
	v35 =	vadd.f32 v40, v24;
	v40 =	vperm.xlane v25, v8;
	[tilespmem:s18+$0x7D30] =	vst v44  }
0xdc: {  	v41 =	vperm.xlane v26, v0;
	v31 =	vadd.f32 v32, v31;
	v32 =	vmul.f32 v34, v33;
	[tilespmem:s18+$0x7D50] =	vst v38  }
0xdd: {  	v30 =	vmul.f32 $1.442695020e+00, v30;
	v28 =	vmul.f32 $2.500000000e-01, v39;
	v25 =	vadd.f32 v40, v25;
	[tilespmem:s18+$0x7D60] =	vst v36  }
0xde: {  	v34 =	vperm.xlane v29, v10;
	v36 =	vadd.f32 v41, v26;
	v33 =	vmul.f32 $1.442695020e+00, v31;
	v31 =	vld [tilespmem:s20+$0x2D20];
	[tilespmem:s18+$0x7D20] =	vst v32;
	s18 =	smov.u32 s20;
	s20 =	smov.u32 s4  }
0xdf: {  	v25 =	vmul.f32 $1.442695020e+00, v25;
	(erf) = vpow2.f32 v30  }
0xe0: {  	v38 =	vperm.xlane v28, v0;
	v30 =	vperm.xlane v35, v1  }
0xe1: {  	v39 =	vperm.xlane v37, v8;
	(erf) = vpow2.f32 v25  }
0xe2: {  	v32 =	vmul.f32 v5, v27;
	v25 =	vperm.xlane v36, v1;
	v30 =	vadd.f32 v30, v35  }
0xe3: {  	v34 =	vadd.f32 v34, v29;
	v27 =	vadd.f32 v39, v37;
	v29 =	vmul.f32 v23, v31  }
0xe4: {  	v31 =	vadd.f32 v25, v36;
	v36 =	vadd.f32 v38, v28;
	v39 =	vld [tilespmem:s18+$0x2D00]  }
.Ltmp0:
0xe5: {  	v27 =	vmul.f32 $1.442695020e+00, v27;
	v25 =	vperm.xlane v30, v10;
	[tilespmem:s18+$0x6920] =	vst v29;
	(pc) =	sbr.rel @p0 .LBB2_3-.Ltmp0, $4  }
0xe6: {  	v40 =	vperm.xlane v43, v8;
	v29 =	vperm.xlane v31, v10;
	v35 =	vld [tilespmem:s20+$0x2D50]  }
0xe7: {  	v37 =	vadd.f32 v25, v30;
	v30 =	vperm.xlane v36, v1;
	v25 =	vld [tilespmem:s20+$0x2D30];
	(erf) = vpow2.f32 v27  }
0xe8: {  	v38 =	vperm.xlane v34, v8;
	v27 =	vadd.f32 v29, v31;
	v31 =	vadd.f32 v40, v43;
	v29 =	vld [tilespmem:s20+$0x2D10];
	v41 =	vpop (erf)  }
0xe9: {  	s13 =	sadd.s32 $0x1, s13;
	s3 =	smov.u32 s22;
	v40 =	vperm.xlane v37, v8;
	v36 =	vadd.f32 v30, v36;
	v30 =	vld [tilespmem:s20+$0x2D40];
	v39 =	vmul.f32 v41, v39  }
0xea: {  	v41 =	vmul.f32 v2, v41;
	_ =	sdelay $0x1  }
0xeb: {  	v20 =	vmul.f32 v3, v20;
	v57 =	vadd.f32 $0.0e+00, v41  }
0xec: {  	v37 =	vadd.f32 v40, v37  }
0xed: {  	v58 =	vpop (erf);
	v23 =	vmul.f32 v4, v23;
	(erf) = vpow2.f32 v33;
	v20 =	vadd.f32 v20, v57  }
0xee: {  	v60 =	vperm.xlane v36, v10;
	v37 =	vmul.f32 $1.442695020e+00, v37  }
0xef: {  	v20 =	vadd.f32 v23, v20  }
0xf0: {  	v59 =	vld [tilespmem:s20+$0x2D60];
	s2 =	smin.u32 s2, $0x18;
	[tilespmem:s18+$0x6900] =	vst v39;
	v33 =	vadd.f32 v60, v36;
	(erf) = vpow2.f32 v37  }
0xf1: {  	v61 =	vadd.f32 v38, v34;
	v16 =	vmul.f32 v6, v16;
	v62 =	vld [tilespmem:s2+$0x400];
	[tilespmem:s20+$0x5500] =	vst v26;
	v20 =	vadd.f32 v32, v20  }
0xf2: {  	[tilespmem:s20+$0x5510] =	vst v24;
	v63 =	vperm.xlane v33, v8  }
0xf3: {  	s1 =	ssub.s32 s17, s1;
	v13 =	vmul.f32 v9, v13;
	[tilespmem:s20+$0x5520] =	vst v28;
	v23 =	vmul.f32 $1.442695020e+00, v61;
	v16 =	vadd.f32 v16, v20  }
0xf4: {  	v35 =	vmul.f32 v58, v35;
	v26 =	vmov s1;
	[tilespmem:s20+$0x5530] =	vst v22;
	v34 =	vadd.f32 v63, v33  }
0xf5: {  	[tilespmem:s20+$0x5540] =	vst v19;
	v36 =	vmul.f32 v11, v21;
	(erf) = vpow2.f32 v23;
	v32 =	vpop (erf);
	v14 =	vadd.f32 v14, v16  }
0xf6: {  	[tilespmem:s20+$0x5570] =	vst v15;
	v38 =	vmul.f32 $1.442695020e+00, v34;
	v39 =	vpop (erf);
	v20 =	vperm.xlane v62, v26  }
0xf7: {  	[tilespmem:s20+$0x6950] =	vst v35;
	v35 =	vmul.f32 v32, v59;
	v15 =	vmul.f32 v39, v30;
	v13 =	vadd.f32 v13, v14  }
0xf8: {  	[tilespmem:s20+$0x5550] =	vst v18;
	(erf) = vpow2.f32 v38;
	v37 =	vand.u32 $0x7, v20;
	v14 =	vmul.f32 $1.442695020e+00, v31  }
0xf9: {  	[tilespmem:s20+$0x5560] =	vst v17;
	vm0 =	veq.s32 v37, $0x0;
	vm1 =	veq.s32 v37, $0x1;
	v40 =	vpop (erf);
	v13 =	vadd.f32 v36, v13  }
0xfa: {  	[tilespmem:s20+$0x6960] =	vst v35;
	v42 =	vmul.f32 v40, v29;
	(erf) = vpow2.f32 v14;
	v14 =	vsel vm0, $0x3F800000, v12  }
0xfb: {  	[tilespmem:s20+$0x6940] =	vst v15;
	v43 =	vsel vm1, $0x3F800000, v12;
	v14 =	vmul.f32 v14, v13  }
0xfc: {  	[tilespmem:s20+$0x6910] =	vst v42;
	v15 =	vmul.f32 v43, v13  }
0xfd: {  	v44 =	vperm.xlane v27, v8;
	[tilespmem:s18+$0x7D00] =	vst v14  }
0xfe: {  	[tilespmem:s18+$0x7D10] =	vst v15  }
0xff: {  	v14 =	vadd.f32 v44, v27;
	v15 =	vld [tilespmem:s20+$0x2D70];
	_ =	sdelay $0x1  }
0x100: {  	vm14 =	veq.s32 v37, $0x4;
	v45 =	vpop (erf);
	v14 =	vmul.f32 $1.442695020e+00, v14  }
0x101: {  	vm15 =	veq.s32 v37, $0x7;
	v47 =	vsel vm14, $0x3F800000, v12;
	v46 =	vmul.f32 v45, v25;
	v48 =	vpop (erf)  }
0x102: {  	vm4 =	veq.s32 v37, $0x3;
	v20 =	vmul.f32 v47, v13;
	(erf) = vpow2.f32 v14;
	v49 =	vpop (erf)  }
0x103: {  	vm5 =	veq.s32 v37, $0x5;
	[tilespmem:s20+$0x6930] =	vst v46;
	v14 =	vsel vm15, $0x3F800000, v12;
	v15 =	vmul.f32 v49, v15  }
0x104: {  	vm6 =	veq.s32 v37, $0x6;
	vm7 =	veq.s32 v37, $0x2;
	[tilespmem:s18+$0x7D40] =	vst v20;
	v14 =	vmul.f32 v14, v13  }
0x105: {  	v50 =	vsel vm4, $0x3F800000, v12;
	v51 =	vsel vm5, $0x3F800000, v12;
	[tilespmem:s20+$0x6970] =	vst v15;
	v15 =	vsel vm6, $0x3F800000, v12  }
0x106: {  	v19 =	vmul.f32 v50, v13;
	[tilespmem:s18+$0x7D70] =	vst v14;
	v14 =	vmul.f32 v15, v13;
	v15 =	vsel vm7, $0x3F800000, v12  }
0x107: {  	v20 =	vmul.f32 v51, v13;
	v13 =	vmul.f32 v15, v13  }
0x108: {  	[tilespmem:s18+$0x7D30] =	vst v19  }
0x109: {  	[tilespmem:s18+$0x7D50] =	vst v20  }
0x10a: {  	[tilespmem:s18+$0x7D60] =	vst v14  }
0x10b: {  	v14 =	vld [tilespmem:s20+$0x2D20];
	[tilespmem:s18+$0x7D20] =	vst v13;
	v13 =	vpop (erf)  }
0x10c: {  	v15 =	vld [tilespmem:s20+$0x2D00];
	v52 =	vmul.f32 v2, v13;
	_ =	sdelay $0x1  }
0x10d: {  	v16 =	vmul.f32 v3, v40;
	v18 =	vadd.f32 $0.0e+00, v52;
	_ =	sdelay $0x1  }
0x10e: {  	v53 =	vmul.f32 v4, v48;
	v14 =	vmul.f32 v48, v14;
	v16 =	vadd.f32 v16, v18  }
0x10f: {  	v13 =	vmul.f32 v13, v15  }
0x110: {  	s17 =	sand.u32 $0x30, s13;
	v15 =	vmul.f32 v5, v45;
	[tilespmem:s20+$0x6920] =	vst v14;
	v14 =	vadd.f32 v53, v16  }
0x111: {  	s1 =	smin.u32 s17, $0x18;
	[tilespmem:s20+$0x6900] =	vst v13  }
0x112: {  	v54 =	vmul.f32 v6, v39;
	v13 =	vld [tilespmem:s1+$0x400];
	v14 =	vadd.f32 v15, v14  }
0x113: {  	s18 =	sand.u32 $0xFFFFFFF0, s13  }
0x114: {  	s1 =	smin.u32 s18, $0x18;
	v15 =	vmul.f32 v7, v58;
	v14 =	vadd.f32 v54, v14  }
0x115: {  	s1 =	ssub.s32 s13, s1  }
0x116: {  	v55 =	vmul.f32 v9, v32;
	v56 =	vmov s1;
	v14 =	vadd.f32 v15, v14  }
0x117: {  	v13 =	vperm.xlane v13, v56  }
0x118: {  	v15 =	vmul.f32 v11, v49;
	v14 =	vadd.f32 v55, v14  }
0x119: {  	v13 =	vand.u32 $0x7, v13  }
0x11a: {  	vm8 =	veq.s32 v13, $0x0;
	v14 =	vadd.f32 v15, v14  }
0x11b: {  	vm9 =	veq.s32 v13, $0x1;
	vm10 =	veq.s32 v13, $0x4;
	v15 =	vsel vm8, $0x3F800000, v12  }
0x11c: {  	vm11 =	veq.s32 v13, $0x7;
	v57 =	vsel vm9, $0x3F800000, v12;
	v15 =	vmul.f32 v15, v14  }
0x11d: {  	vm13 =	veq.s32 v13, $0x5;
	v59 =	vsel vm11, $0x3F800000, v12;
	v16 =	vmul.f32 v57, v14  }
0x11e: {  	vm12 =	veq.s32 v13, $0x3;
	v61 =	vsel vm13, $0x3F800000, v12;
	v17 =	vmul.f32 v59, v14;
	[tilespmem:s20+$0x7D00] =	vst v15  }
0x11f: {  	vm14 =	veq.s32 v13, $0x6;
	v58 =	vsel vm10, $0x3F800000, v12;
	v62 =	vmul.f32 v61, v14;
	[tilespmem:s20+$0x7D10] =	vst v16  }
0x120: {  	vm15 =	veq.s32 v13, $0x2;
	v13 =	vsel vm14, $0x3F800000, v12;
	v15 =	vmul.f32 v58, v14;
	[tilespmem:s20+$0x7D70] =	vst v17  }
0x121: {  	v60 =	vsel vm12, $0x3F800000, v12;
	v13 =	vmul.f32 v13, v14;
	[tilespmem:s20+$0x7D50] =	vst v62  }
0x122: {  	v63 =	vsel vm15, $0x3F800000, v12;
	[tilespmem:s20+$0x7D40] =	vst v15;
	v15 =	vmul.f32 v60, v14  }
0x123: {  	[tilespmem:s20+$0x7D60] =	vst v13;
	v14 =	vmul.f32 v63, v14  }
0x124: {  	s22 =	rddreg [dreg:$0x2];
	[tilespmem:s20+$0x7D30] =	vst v15  }
0x125: {  	s1 =	sadd.s32 s22, s12;
	[tilespmem:s20+$0x7D20] =	vst v14  }
0x126: {  	[hbm4b:s1+s6] =	stream.linear.scatter [tilespmem:s30], [sflag:$0x4], $0x1400, $0x38;
	[tilespmem:$0x1F900] =	vst v63  }
0x127: {  	s23 =	rddreg [dreg:$0x3]  }
0x128: {  	[spmem:s23] =	stream.indirect.scatter.add.f32 [tilespmem:s0], [sflag:$0x5], $0x80, s31, s21, $0xb8;
	[tilespmem:$0x1F900] =	vst v63  }
0x129: {  	_ =	swait.ge [sflag:s19], $0x1400  }
0x12a: {  	s16 =	sadd.s32 $0x1, s16;
	[sflag:s19] =	ssyncset.done $0x0  }
0x12b: {  	p0 =	sne.s32 s16, $0xFA;
	[sflag:s19] =	ssyncadd.s32 $0xFFFFEC00  }
.Ltmp1:
0x12c: {  	s24 =	rddreg [dreg:$0x4];
	(pc) =	sbr.rel @p0 .LBB2_2-.Ltmp1, $4  }
0x12d: {  	[spmem:s24] =	stream.indirect.scatter.add.f32 [tilespmem:s15], [sflag:$0x5], $0x80, s5, s21, $0xb8;
	[tilespmem:$0x1F900] =	vst v63  }
0x12e: {  	_ =	swait.ge [sflag:s19], $0x1400  }
0x12f: {  	[sflag:s19] =	ssyncset.done $0x0  }
0x130: {  	[sflag:s19] =	ssyncadd.s32 $0xFFFFEC00  }
0x131: {  	s1 =	simm.s32 $0x4  }
0x132: {  	_ =	swait.ge [sflag:s1], $0x1400  }
0x133: {  	[sflag:s1] =	ssyncset.done $0x0  }
0x134: {  	[sflag:s1] =	ssyncadd.s32 $0xFFFFEC00  }
0x135: {  	[bflag:$0x0] =	sbarrier.arrive $0xFFFF  }
0x136: {  	s13 =	rddreg [dreg:$0x7]  }
0x137: {  	s22 =	rddreg [dreg:$0x8]  }
0x138: {  	s2 =	rddreg [dreg:$0xb]  }
0x139: {  	[hbm:s22], [sflag:s13] =	dma.local [spmem:s2], $0x2800  }
0x13a: {  	_ =	swait.ge [sflag:s19], $0x2800  }
0x13b: {  	[sflag:s19] =	ssyncset.done $0x0;
	s23 =	rddreg [dreg:$0x9]  }
0x13c: {  	s3 =	rddreg [dreg:$0xc];
	[sflag:s19] =	ssyncadd.s32 $0xFFFFD800  }
0x13d: {  	[hbm:s23], [sflag:s13] =	dma.local [spmem:s3], $0x500  }
0x13e: {  	_ =	swait.ge [sflag:s19], $0x500  }
0x13f: {  	s4 =	rddreg [dreg:$0xd]  }
0x140: {  	s24 =	rddreg [dreg:$0xa];
	s4 =	sadd.s32 $0x1, s4  }
0x141: {  	p0 =	sne.s32 s4, s24  }
.Ltmp2:
0x142: {  	_ = 	snop;
	(pc) =	sbr.rel @p0 .LBB2_1-.Ltmp2, $3  }
0x143: {  	_ =	sdelay $0x1  }
0x144: {  	[sflag:s19] =	ssyncset.done $0x0  }
0x145: {  	[sflag:s19] =	ssyncadd.s32 $0xFFFFFB00  }
0x146: {  	_ =	sfence.sel $0x180000  }
0x147: {  	[bflag:$0x0] =	sbarrier.arrive $0xFFFF  }
0x148: {  	_ =	strace $0x90000047  }
0x149: {  	s0 =	stileid.u32;
	[bflag:$0x2] =	sbarrier.arrive $0xFFFF  }
0x14a: {  	p0 =	sne.s32 s0, $0x0;
	s0 =	rddreg [dreg:$0x5]  }
0x14b: {  	s0 =	sadd.s32 @!p0 $0x100000, s0  }
0x14c: {  	[sflag:s0] =	ssyncadd.tile.s32 @!p0 $0x1;
	_ =	shalt  }
.Lfunc_end2:
_tile_overlayer_lowered:
.L_overlay_start_2:
0x14d: {  	(tag) =	ssettag $0x2  }
0x14e: {  	s0 =	rddreg [dreg:$0x0];
	s2 =	stileid.u32  }
0x14f: {  	s1 =	rddreg [dreg:$0x1];
	p0 =	sne.s32 s2, $0x0  }
0x150: {  	s3 =	rddreg [dreg:$0x2];
	[bflag:$0x3] =	sbarrier.arrive $0xFFFF;
	s2 =	simm.s32 @!p0 $0x1C05  }
0x151: {  	[timem:s3], [sflag:s2] =	dma.local @!p0 [hbm:s0], s1  }
0x152: {  	s0 =	simm.s32 @!p0 $0x5  }
0x153: {  	_ =	swait.ge @!p0 [sflag:s0], s1  }
0x154: {  	s1 =	ssub.s32 @!p0 $0x0, s1;
	[sflag:s0] =	ssyncset.done @!p0 $0x0  }
0x155: {  	[sflag:s0] =	ssyncadd.s32 @!p0 s1  }
0x156: {  	[bflag:$0x3] =	sbarrier.arrive $0xFFFF  }
0x157: {  	_ =	shalt  }

</sc_bundles>
